<compile_context>
chip_gen: v7x
topology: tpu7x:2x2x1
jax: 0.10.2.dev20260603
libtpu: 0.0.44.dev20260713+nightly
codegen_flags: <defaults>
</compile_context>

<pallas_src>
import functools

import jax
import jax.numpy as jnp
from jax import lax
from jax.experimental import pallas as pl
from jax.experimental.pallas import tpu as pltpu
from jax.experimental.pallas import tpu_sc as plsc

VOCAB = 1000000
EMBED_DIM = 32
BATCH = 4096
HIST_LEN = 200

N = BATCH * HIST_LEN
BLK = 128
NBLOCKS = N // BLK
NC, NS = 2, 16
NW = NC * NS
BPW = NBLOCKS // NW
NBUF = 8
GROUPS = BPW // NBUF


def _make_kernel():
    mesh = plsc.VectorSubcoreMesh(core_axis_name="c", subcore_axis_name="s")

    @functools.partial(
        pl.kernel,
        mesh=mesh,
        out_type=jax.ShapeDtypeStruct((N, EMBED_DIM), jnp.float32),
        compiler_params=pltpu.CompilerParams(use_tc_tiling_on_sc=False),
        scratch_types=[
            pltpu.VMEM((BPW, BLK), jnp.int32),
            pltpu.VMEM((NBUF, BLK, EMBED_DIM), jnp.float32),
            pltpu.SemaphoreType.DMA((NBUF,)),
            pltpu.SemaphoreType.DMA((NBUF,)),
        ],
    )
    def gather_kernel(table_hbm, idx_hbm, out_hbm, idx_v, rows_v, gsem, wsem):
        wid = lax.axis_index("s") * NC + lax.axis_index("c")
        blk_base = wid * BPW

        pltpu.sync_copy(idx_hbm.at[pl.ds(blk_base, BPW)], idx_v)

        for j in range(NBUF):
            pltpu.async_copy(table_hbm.at[idx_v.at[j]], rows_v.at[j], gsem.at[j])

        def group(g, _):
            for j in range(NBUF):
                blk = g * NBUF + j
                pltpu.make_async_copy(
                    table_hbm.at[idx_v.at[j]], rows_v.at[j], gsem.at[j]
                ).wait()
                pltpu.async_copy(
                    rows_v.at[j],
                    out_hbm.at[pl.ds((blk_base + blk) * BLK, BLK)],
                    wsem.at[j],
                )

            @pl.when(g + 1 < GROUPS)
            def _refire():
                for j in range(NBUF):
                    nxt = (g + 1) * NBUF + j
                    pltpu.make_async_copy(
                        rows_v.at[j],
                        out_hbm.at[pl.ds(blk_base * BLK, BLK)],
                        wsem.at[j],
                    ).wait()
                    pltpu.async_copy(
                        table_hbm.at[idx_v.at[nxt]], rows_v.at[j], gsem.at[j]
                    )

            return ()

        lax.fori_loop(0, GROUPS, group, ())

        for j in range(NBUF):
            pltpu.make_async_copy(
                rows_v.at[j],
                out_hbm.at[pl.ds(blk_base * BLK, BLK)],
                wsem.at[j],
            ).wait()

    return gather_kernel


_GATHER = _make_kernel()


@jax.jit
def kernel(indices, table):
    idx2d = indices.astype(jnp.int32).reshape(NBLOCKS, BLK)
    out = _GATHER(table, idx2d)
    return out.reshape(BATCH, HIST_LEN, EMBED_DIM)

# --- scband reference (transcript-rebuilt; emitter-appended) ---
"""Pipeline reference for scband-cate-seq-fea-layer-87436944212157 (READ-ONLY COPY).

The authoritative reference and input builder live on the scoring server;
editing this copy changes nothing except your own understanding.
"""

import jax, jax.numpy as jnp
import numpy as np

VOCAB = 1000000
EMBED_DIM = 32
BATCH = 4096
HIST_LEN = 200

def setup_inputs(seed: int = 0) -> dict:
    key = jax.random.key(seed)
    k_idx, k_tab = jax.random.split(key)
    indices = jax.random.randint(k_idx, (BATCH, HIST_LEN), 0, VOCAB, dtype=jnp.int64 if jax.config.jax_enable_x64 else jnp.int32)
    table = jax.random.normal(k_tab, (VOCAB, EMBED_DIM), dtype=jnp.float32) * 0.05
    return {"indices": indices, "table": table}

def reference(indices, table):
    # CateSeqFeaLayer.call: embedding lookup over categorical sequence
    return jnp.take(table, indices, axis=0)

if __name__ == "__main__":
    import jax
    _d = setup_inputs()
    print(jax.jit(kernel)(*tuple(_d.values())))

</pallas_src>

<mosaic_0001>
#map = affine_map<(d0, d1) -> (0, 0)>
module attributes {stable_mosaic.version = 14 : i64} {
  func.func @gather_kernel(%arg0: i32, %arg1: i32, %arg2: memref<1000000x32xf32, #tpu.memory_space<hbm>>, %arg3: memref<6400x128xi32, #tpu.memory_space<hbm>>, %arg4: memref<819200x32xf32, #tpu.memory_space<hbm>>, %arg5: memref<200x128xi32, #tpu.memory_space<vmem>>, %arg6: memref<8x128x32xf32, #tpu.memory_space<vmem>>, %arg7: memref<8x!tpu.dma_semaphore, #tpu.memory_space<semaphore_mem>>, %arg8: memref<8x!tpu.dma_semaphore, #tpu.memory_space<semaphore_mem>>) attributes {dimension_semantics = [#tpu.dimension_semantics<core_parallel>, #tpu.dimension_semantics<subcore_parallel>], iteration_bounds = array<i64: 2, 16>, scalar_prefetch = 0 : i64, scratch_operands = 4 : i64, tpu.core_type = #tpu.core_type<sc_vector_subcore>, window_params = [{transform_indices = #map}, {transform_indices = #map}, {transform_indices = #map}]} {
    %mul3A = arith.constant 2 : i32
    %mul3A_0 = arith.muli %arg1, %mul3A : i32
    %add3A = arith.addi %mul3A_0, %arg0 : i32
    %mul3A_1 = arith.constant 200 : i32
    %mul3A_2 = arith.muli %add3A, %mul3A_1 : i32
    "tpu.region"() ({
      %run_scoped3A = tpu.sem_alloc : memref<!tpu.dma_semaphore, #tpu.memory_space<semaphore_mem>>
      %dma_start3A_269 = arith.constant 0 : i32
      %dma_start3A_270 = tpu.memref_slice %arg3[%mul3A_2, %dma_start3A_269] : memref<6400x128xi32, #tpu.memory_space<hbm>> -> memref<200x128xi32, #tpu.memory_space<hbm>>
      %dma_start3A_271 = arith.constant 0 : i32
      %dma_start3A_272 = tpu.memref_slice %arg3[%mul3A_2, %dma_start3A_271] : memref<6400x128xi32, #tpu.memory_space<hbm>> -> memref<200x128xi32, #tpu.memory_space<hbm>>
      tpu.enqueue_dma source(%dma_start3A_272 : memref<200x128xi32, #tpu.memory_space<hbm>>) target(%arg5 : memref<200x128xi32, #tpu.memory_space<vmem>>) target_semaphore(%run_scoped3A : memref<!tpu.dma_semaphore, #tpu.memory_space<semaphore_mem>>)
      %dma_wait3A_273 = arith.constant 0 : i32
      %dma_wait3A_274 = tpu.memref_slice %arg3[%mul3A_2, %dma_wait3A_273] : memref<6400x128xi32, #tpu.memory_space<hbm>> -> memref<200x128xi32, #tpu.memory_space<hbm>>
      %dma_wait3A_275 = arith.constant 0 : i32
      %dma_wait3A_276 = tpu.memref_slice %arg3[%mul3A_2, %dma_wait3A_275] : memref<6400x128xi32, #tpu.memory_space<hbm>> -> memref<200x128xi32, #tpu.memory_space<hbm>>
      tpu.wait_dma2 semaphore(%run_scoped3A : memref<!tpu.dma_semaphore, #tpu.memory_space<semaphore_mem>>) src(%dma_wait3A_276 : memref<200x128xi32, #tpu.memory_space<hbm>>) dst(%arg5 : memref<200x128xi32, #tpu.memory_space<vmem>>)
      tpu.yield
    }) : () -> ()
    %dma_start3A = arith.constant 0 : i32
    %dma_start3A_3 = arith.constant 0 : i32
    %dma_start3A_4 = arith.constant 0 : i32
    %dma_start3A_5 = arith.constant 0 : i32
    %dma_start3A_6 = arith.constant 0 : i32
    %dma_start3A_7 = tpu.memref_slice %arg6[%dma_start3A_3, %dma_start3A_5, %dma_start3A_6] : memref<8x128x32xf32, #tpu.memory_space<vmem>> -> memref<1x128x32xf32, #tpu.memory_space<vmem>>
    %dma_start3A_8 = tpu.memref_squeeze %dma_start3A_7 : memref<1x128x32xf32, #tpu.memory_space<vmem>> -> memref<128x32xf32, #tpu.memory_space<vmem>>
    %dma_start3A_9 = arith.constant 0 : i32
    %dma_start3A_10 = tpu.memref_slice %arg5[%dma_start3A, %dma_start3A_9] : memref<200x128xi32, #tpu.memory_space<vmem>> -> memref<1x128xi32, #tpu.memory_space<vmem>>
    %dma_start3A_11 = tpu.memref_squeeze %dma_start3A_10 : memref<1x128xi32, #tpu.memory_space<vmem>> -> memref<128xi32, #tpu.memory_space<vmem>>
    %dma_start3A_12 = arith.constant 0 : i32
    %dma_start3A_13 = arith.constant 0 : i32
    %dma_start3A_14 = tpu.memref_slice %arg2[%dma_start3A_12, %dma_start3A_13] : memref<1000000x32xf32, #tpu.memory_space<hbm>> -> memref<1000000x32xf32, #tpu.memory_space<hbm>>
    %dma_start3A_15 = tpu.memref_slice %arg7[%dma_start3A_4] : memref<8x!tpu.dma_semaphore, #tpu.memory_space<semaphore_mem>> -> memref<1x!tpu.dma_semaphore, #tpu.memory_space<semaphore_mem>>
    %dma_start3A_16 = tpu.memref_squeeze %dma_start3A_15 : memref<1x!tpu.dma_semaphore, #tpu.memory_space<semaphore_mem>> -> memref<!tpu.dma_semaphore, #tpu.memory_space<semaphore_mem>>
    tpu.enqueue_indirect_dma source(%dma_start3A_14 : memref<1000000x32xf32, #tpu.memory_space<hbm>>) target(%dma_start3A_8 : memref<128x32xf32, #tpu.memory_space<vmem>>) offsets(%dma_start3A_11 : memref<128xi32, #tpu.memory_space<vmem>>) semaphore(%dma_start3A_16 : memref<!tpu.dma_semaphore, #tpu.memory_space<semaphore_mem>>)
    %dma_start3A_17 = arith.constant 1 : i32
    %dma_start3A_18 = arith.constant 1 : i32
    %dma_start3A_19 = arith.constant 1 : i32
    %dma_start3A_20 = arith.constant 0 : i32
    %dma_start3A_21 = arith.constant 0 : i32
    %dma_start3A_22 = tpu.memref_slice %arg6[%dma_start3A_18, %dma_start3A_20, %dma_start3A_21] : memref<8x128x32xf32, #tpu.memory_space<vmem>> -> memref<1x128x32xf32, #tpu.memory_space<vmem>>
    %dma_start3A_23 = tpu.memref_squeeze %dma_start3A_22 : memref<1x128x32xf32, #tpu.memory_space<vmem>> -> memref<128x32xf32, #tpu.memory_space<vmem>>
    %dma_start3A_24 = arith.constant 0 : i32
    %dma_start3A_25 = tpu.memref_slice %arg5[%dma_start3A_17, %dma_start3A_24] : memref<200x128xi32, #tpu.memory_space<vmem>> -> memref<1x128xi32, #tpu.memory_space<vmem>>
    %dma_start3A_26 = tpu.memref_squeeze %dma_start3A_25 : memref<1x128xi32, #tpu.memory_space<vmem>> -> memref<128xi32, #tpu.memory_space<vmem>>
    %dma_start3A_27 = arith.constant 0 : i32
    %dma_start3A_28 = arith.constant 0 : i32
    %dma_start3A_29 = tpu.memref_slice %arg2[%dma_start3A_27, %dma_start3A_28] : memref<1000000x32xf32, #tpu.memory_space<hbm>> -> memref<1000000x32xf32, #tpu.memory_space<hbm>>
    %dma_start3A_30 = tpu.memref_slice %arg7[%dma_start3A_19] : memref<8x!tpu.dma_semaphore, #tpu.memory_space<semaphore_mem>> -> memref<1x!tpu.dma_semaphore, #tpu.memory_space<semaphore_mem>>
    %dma_start3A_31 = tpu.memref_squeeze %dma_start3A_30 : memref<1x!tpu.dma_semaphore, #tpu.memory_space<semaphore_mem>> -> memref<!tpu.dma_semaphore, #tpu.memory_space<semaphore_mem>>
    tpu.enqueue_indirect_dma source(%dma_start3A_29 : memref<1000000x32xf32, #tpu.memory_space<hbm>>) target(%dma_start3A_23 : memref<128x32xf32, #tpu.memory_space<vmem>>) offsets(%dma_start3A_26 : memref<128xi32, #tpu.memory_space<vmem>>) semaphore(%dma_start3A_31 : memref<!tpu.dma_semaphore, #tpu.memory_space<semaphore_mem>>)
    %dma_start3A_32 = arith.constant 2 : i32
    %dma_start3A_33 = arith.constant 2 : i32
    %dma_start3A_34 = arith.constant 2 : i32
    %dma_start3A_35 = arith.constant 0 : i32
    %dma_start3A_36 = arith.constant 0 : i32
    %dma_start3A_37 = tpu.memref_slice %arg6[%dma_start3A_33, %dma_start3A_35, %dma_start3A_36] : memref<8x128x32xf32, #tpu.memory_space<vmem>> -> memref<1x128x32xf32, #tpu.memory_space<vmem>>
    %dma_start3A_38 = tpu.memref_squeeze %dma_start3A_37 : memref<1x128x32xf32, #tpu.memory_space<vmem>> -> memref<128x32xf32, #tpu.memory_space<vmem>>
    %dma_start3A_39 = arith.constant 0 : i32
    %dma_start3A_40 = tpu.memref_slice %arg5[%dma_start3A_32, %dma_start3A_39] : memref<200x128xi32, #tpu.memory_space<vmem>> -> memref<1x128xi32, #tpu.memory_space<vmem>>
    %dma_start3A_41 = tpu.memref_squeeze %dma_start3A_40 : memref<1x128xi32, #tpu.memory_space<vmem>> -> memref<128xi32, #tpu.memory_space<vmem>>
    %dma_start3A_42 = arith.constant 0 : i32
    %dma_start3A_43 = arith.constant 0 : i32
    %dma_start3A_44 = tpu.memref_slice %arg2[%dma_start3A_42, %dma_start3A_43] : memref<1000000x32xf32, #tpu.memory_space<hbm>> -> memref<1000000x32xf32, #tpu.memory_space<hbm>>
    %dma_start3A_45 = tpu.memref_slice %arg7[%dma_start3A_34] : memref<8x!tpu.dma_semaphore, #tpu.memory_space<semaphore_mem>> -> memref<1x!tpu.dma_semaphore, #tpu.memory_space<semaphore_mem>>
    %dma_start3A_46 = tpu.memref_squeeze %dma_start3A_45 : memref<1x!tpu.dma_semaphore, #tpu.memory_space<semaphore_mem>> -> memref<!tpu.dma_semaphore, #tpu.memory_space<semaphore_mem>>
    tpu.enqueue_indirect_dma source(%dma_start3A_44 : memref<1000000x32xf32, #tpu.memory_space<hbm>>) target(%dma_start3A_38 : memref<128x32xf32, #tpu.memory_space<vmem>>) offsets(%dma_start3A_41 : memref<128xi32, #tpu.memory_space<vmem>>) semaphore(%dma_start3A_46 : memref<!tpu.dma_semaphore, #tpu.memory_space<semaphore_mem>>)
    %dma_start3A_47 = arith.constant 3 : i32
    %dma_start3A_48 = arith.constant 3 : i32
    %dma_start3A_49 = arith.constant 3 : i32
    %dma_start3A_50 = arith.constant 0 : i32
    %dma_start3A_51 = arith.constant 0 : i32
    %dma_start3A_52 = tpu.memref_slice %arg6[%dma_start3A_48, %dma_start3A_50, %dma_start3A_51] : memref<8x128x32xf32, #tpu.memory_space<vmem>> -> memref<1x128x32xf32, #tpu.memory_space<vmem>>
    %dma_start3A_53 = tpu.memref_squeeze %dma_start3A_52 : memref<1x128x32xf32, #tpu.memory_space<vmem>> -> memref<128x32xf32, #tpu.memory_space<vmem>>
    %dma_start3A_54 = arith.constant 0 : i32
    %dma_start3A_55 = tpu.memref_slice %arg5[%dma_start3A_47, %dma_start3A_54] : memref<200x128xi32, #tpu.memory_space<vmem>> -> memref<1x128xi32, #tpu.memory_space<vmem>>
    %dma_start3A_56 = tpu.memref_squeeze %dma_start3A_55 : memref<1x128xi32, #tpu.memory_space<vmem>> -> memref<128xi32, #tpu.memory_space<vmem>>
    %dma_start3A_57 = arith.constant 0 : i32
    %dma_start3A_58 = arith.constant 0 : i32
    %dma_start3A_59 = tpu.memref_slice %arg2[%dma_start3A_57, %dma_start3A_58] : memref<1000000x32xf32, #tpu.memory_space<hbm>> -> memref<1000000x32xf32, #tpu.memory_space<hbm>>
    %dma_start3A_60 = tpu.memref_slice %arg7[%dma_start3A_49] : memref<8x!tpu.dma_semaphore, #tpu.memory_space<semaphore_mem>> -> memref<1x!tpu.dma_semaphore, #tpu.memory_space<semaphore_mem>>
    %dma_start3A_61 = tpu.memref_squeeze %dma_start3A_60 : memref<1x!tpu.dma_semaphore, #tpu.memory_space<semaphore_mem>> -> memref<!tpu.dma_semaphore, #tpu.memory_space<semaphore_mem>>
    tpu.enqueue_indirect_dma source(%dma_start3A_59 : memref<1000000x32xf32, #tpu.memory_space<hbm>>) target(%dma_start3A_53 : memref<128x32xf32, #tpu.memory_space<vmem>>) offsets(%dma_start3A_56 : memref<128xi32, #tpu.memory_space<vmem>>) semaphore(%dma_start3A_61 : memref<!tpu.dma_semaphore, #tpu.memory_space<semaphore_mem>>)
    %dma_start3A_62 = arith.constant 4 : i32
    %dma_start3A_63 = arith.constant 4 : i32
    %dma_start3A_64 = arith.constant 4 : i32
    %dma_start3A_65 = arith.constant 0 : i32
    %dma_start3A_66 = arith.constant 0 : i32
    %dma_start3A_67 = tpu.memref_slice %arg6[%dma_start3A_63, %dma_start3A_65, %dma_start3A_66] : memref<8x128x32xf32, #tpu.memory_space<vmem>> -> memref<1x128x32xf32, #tpu.memory_space<vmem>>
    %dma_start3A_68 = tpu.memref_squeeze %dma_start3A_67 : memref<1x128x32xf32, #tpu.memory_space<vmem>> -> memref<128x32xf32, #tpu.memory_space<vmem>>
    %dma_start3A_69 = arith.constant 0 : i32
    %dma_start3A_70 = tpu.memref_slice %arg5[%dma_start3A_62, %dma_start3A_69] : memref<200x128xi32, #tpu.memory_space<vmem>> -> memref<1x128xi32, #tpu.memory_space<vmem>>
    %dma_start3A_71 = tpu.memref_squeeze %dma_start3A_70 : memref<1x128xi32, #tpu.memory_space<vmem>> -> memref<128xi32, #tpu.memory_space<vmem>>
    %dma_start3A_72 = arith.constant 0 : i32
    %dma_start3A_73 = arith.constant 0 : i32
    %dma_start3A_74 = tpu.memref_slice %arg2[%dma_start3A_72, %dma_start3A_73] : memref<1000000x32xf32, #tpu.memory_space<hbm>> -> memref<1000000x32xf32, #tpu.memory_space<hbm>>
    %dma_start3A_75 = tpu.memref_slice %arg7[%dma_start3A_64] : memref<8x!tpu.dma_semaphore, #tpu.memory_space<semaphore_mem>> -> memref<1x!tpu.dma_semaphore, #tpu.memory_space<semaphore_mem>>
    %dma_start3A_76 = tpu.memref_squeeze %dma_start3A_75 : memref<1x!tpu.dma_semaphore, #tpu.memory_space<semaphore_mem>> -> memref<!tpu.dma_semaphore, #tpu.memory_space<semaphore_mem>>
    tpu.enqueue_indirect_dma source(%dma_start3A_74 : memref<1000000x32xf32, #tpu.memory_space<hbm>>) target(%dma_start3A_68 : memref<128x32xf32, #tpu.memory_space<vmem>>) offsets(%dma_start3A_71 : memref<128xi32, #tpu.memory_space<vmem>>) semaphore(%dma_start3A_76 : memref<!tpu.dma_semaphore, #tpu.memory_space<semaphore_mem>>)
    %dma_start3A_77 = arith.constant 5 : i32
    %dma_start3A_78 = arith.constant 5 : i32
    %dma_start3A_79 = arith.constant 5 : i32
    %dma_start3A_80 = arith.constant 0 : i32
    %dma_start3A_81 = arith.constant 0 : i32
    %dma_start3A_82 = tpu.memref_slice %arg6[%dma_start3A_78, %dma_start3A_80, %dma_start3A_81] : memref<8x128x32xf32, #tpu.memory_space<vmem>> -> memref<1x128x32xf32, #tpu.memory_space<vmem>>
    %dma_start3A_83 = tpu.memref_squeeze %dma_start3A_82 : memref<1x128x32xf32, #tpu.memory_space<vmem>> -> memref<128x32xf32, #tpu.memory_space<vmem>>
    %dma_start3A_84 = arith.constant 0 : i32
    %dma_start3A_85 = tpu.memref_slice %arg5[%dma_start3A_77, %dma_start3A_84] : memref<200x128xi32, #tpu.memory_space<vmem>> -> memref<1x128xi32, #tpu.memory_space<vmem>>
    %dma_start3A_86 = tpu.memref_squeeze %dma_start3A_85 : memref<1x128xi32, #tpu.memory_space<vmem>> -> memref<128xi32, #tpu.memory_space<vmem>>
    %dma_start3A_87 = arith.constant 0 : i32
    %dma_start3A_88 = arith.constant 0 : i32
    %dma_start3A_89 = tpu.memref_slice %arg2[%dma_start3A_87, %dma_start3A_88] : memref<1000000x32xf32, #tpu.memory_space<hbm>> -> memref<1000000x32xf32, #tpu.memory_space<hbm>>
    %dma_start3A_90 = tpu.memref_slice %arg7[%dma_start3A_79] : memref<8x!tpu.dma_semaphore, #tpu.memory_space<semaphore_mem>> -> memref<1x!tpu.dma_semaphore, #tpu.memory_space<semaphore_mem>>
    %dma_start3A_91 = tpu.memref_squeeze %dma_start3A_90 : memref<1x!tpu.dma_semaphore, #tpu.memory_space<semaphore_mem>> -> memref<!tpu.dma_semaphore, #tpu.memory_space<semaphore_mem>>
    tpu.enqueue_indirect_dma source(%dma_start3A_89 : memref<1000000x32xf32, #tpu.memory_space<hbm>>) target(%dma_start3A_83 : memref<128x32xf32, #tpu.memory_space<vmem>>) offsets(%dma_start3A_86 : memref<128xi32, #tpu.memory_space<vmem>>) semaphore(%dma_start3A_91 : memref<!tpu.dma_semaphore, #tpu.memory_space<semaphore_mem>>)
    %dma_start3A_92 = arith.constant 6 : i32
    %dma_start3A_93 = arith.constant 6 : i32
    %dma_start3A_94 = arith.constant 6 : i32
    %dma_start3A_95 = arith.constant 0 : i32
    %dma_start3A_96 = arith.constant 0 : i32
    %dma_start3A_97 = tpu.memref_slice %arg6[%dma_start3A_93, %dma_start3A_95, %dma_start3A_96] : memref<8x128x32xf32, #tpu.memory_space<vmem>> -> memref<1x128x32xf32, #tpu.memory_space<vmem>>
    %dma_start3A_98 = tpu.memref_squeeze %dma_start3A_97 : memref<1x128x32xf32, #tpu.memory_space<vmem>> -> memref<128x32xf32, #tpu.memory_space<vmem>>
    %dma_start3A_99 = arith.constant 0 : i32
    %dma_start3A_100 = tpu.memref_slice %arg5[%dma_start3A_92, %dma_start3A_99] : memref<200x128xi32, #tpu.memory_space<vmem>> -> memref<1x128xi32, #tpu.memory_space<vmem>>
    %dma_start3A_101 = tpu.memref_squeeze %dma_start3A_100 : memref<1x128xi32, #tpu.memory_space<vmem>> -> memref<128xi32, #tpu.memory_space<vmem>>
    %dma_start3A_102 = arith.constant 0 : i32
    %dma_start3A_103 = arith.constant 0 : i32
    %dma_start3A_104 = tpu.memref_slice %arg2[%dma_start3A_102, %dma_start3A_103] : memref<1000000x32xf32, #tpu.memory_space<hbm>> -> memref<1000000x32xf32, #tpu.memory_space<hbm>>
    %dma_start3A_105 = tpu.memref_slice %arg7[%dma_start3A_94] : memref<8x!tpu.dma_semaphore, #tpu.memory_space<semaphore_mem>> -> memref<1x!tpu.dma_semaphore, #tpu.memory_space<semaphore_mem>>
    %dma_start3A_106 = tpu.memref_squeeze %dma_start3A_105 : memref<1x!tpu.dma_semaphore, #tpu.memory_space<semaphore_mem>> -> memref<!tpu.dma_semaphore, #tpu.memory_space<semaphore_mem>>
    tpu.enqueue_indirect_dma source(%dma_start3A_104 : memref<1000000x32xf32, #tpu.memory_space<hbm>>) target(%dma_start3A_98 : memref<128x32xf32, #tpu.memory_space<vmem>>) offsets(%dma_start3A_101 : memref<128xi32, #tpu.memory_space<vmem>>) semaphore(%dma_start3A_106 : memref<!tpu.dma_semaphore, #tpu.memory_space<semaphore_mem>>)
    %dma_start3A_107 = arith.constant 7 : i32
    %dma_start3A_108 = arith.constant 7 : i32
    %dma_start3A_109 = arith.constant 7 : i32
    %dma_start3A_110 = arith.constant 0 : i32
    %dma_start3A_111 = arith.constant 0 : i32
    %dma_start3A_112 = tpu.memref_slice %arg6[%dma_start3A_108, %dma_start3A_110, %dma_start3A_111] : memref<8x128x32xf32, #tpu.memory_space<vmem>> -> memref<1x128x32xf32, #tpu.memory_space<vmem>>
    %dma_start3A_113 = tpu.memref_squeeze %dma_start3A_112 : memref<1x128x32xf32, #tpu.memory_space<vmem>> -> memref<128x32xf32, #tpu.memory_space<vmem>>
    %dma_start3A_114 = arith.constant 0 : i32
    %dma_start3A_115 = tpu.memref_slice %arg5[%dma_start3A_107, %dma_start3A_114] : memref<200x128xi32, #tpu.memory_space<vmem>> -> memref<1x128xi32, #tpu.memory_space<vmem>>
    %dma_start3A_116 = tpu.memref_squeeze %dma_start3A_115 : memref<1x128xi32, #tpu.memory_space<vmem>> -> memref<128xi32, #tpu.memory_space<vmem>>
    %dma_start3A_117 = arith.constant 0 : i32
    %dma_start3A_118 = arith.constant 0 : i32
    %dma_start3A_119 = tpu.memref_slice %arg2[%dma_start3A_117, %dma_start3A_118] : memref<1000000x32xf32, #tpu.memory_space<hbm>> -> memref<1000000x32xf32, #tpu.memory_space<hbm>>
    %dma_start3A_120 = tpu.memref_slice %arg7[%dma_start3A_109] : memref<8x!tpu.dma_semaphore, #tpu.memory_space<semaphore_mem>> -> memref<1x!tpu.dma_semaphore, #tpu.memory_space<semaphore_mem>>
    %dma_start3A_121 = tpu.memref_squeeze %dma_start3A_120 : memref<1x!tpu.dma_semaphore, #tpu.memory_space<semaphore_mem>> -> memref<!tpu.dma_semaphore, #tpu.memory_space<semaphore_mem>>
    tpu.enqueue_indirect_dma source(%dma_start3A_119 : memref<1000000x32xf32, #tpu.memory_space<hbm>>) target(%dma_start3A_113 : memref<128x32xf32, #tpu.memory_space<vmem>>) offsets(%dma_start3A_116 : memref<128xi32, #tpu.memory_space<vmem>>) semaphore(%dma_start3A_121 : memref<!tpu.dma_semaphore, #tpu.memory_space<semaphore_mem>>)
    %scan3A = arith.constant 0 : i32
    %scan3A_122 = arith.constant 25 : i32
    %scan3A_123 = arith.addi %scan3A, %scan3A_122 : i32
    %scan3A_124 = arith.constant 1 : i32
    scf.for %scan3A_269 = %scan3A to %scan3A_123 step %scan3A_124  : i32 {
      %mul3A_270 = arith.constant 8 : i32
      %mul3A_271 = arith.muli %scan3A_269, %mul3A_270 : i32
      %add3A_272 = arith.constant 0 : i32
      %add3A_273 = arith.addi %mul3A_271, %add3A_272 : i32
      %dma_wait3A_274 = arith.constant 0 : i32
      %dma_wait3A_275 = arith.constant 0 : i32
      %dma_wait3A_276 = arith.constant 0 : i32
      %dma_wait3A_277 = arith.constant 0 : i32
      %dma_wait3A_278 = arith.constant 0 : i32
      %dma_wait3A_279 = tpu.memref_slice %arg6[%dma_wait3A_275, %dma_wait3A_277, %dma_wait3A_278] : memref<8x128x32xf32, #tpu.memory_space<vmem>> -> memref<1x128x32xf32, #tpu.memory_space<vmem>>
      %dma_wait3A_280 = tpu.memref_squeeze %dma_wait3A_279 : memref<1x128x32xf32, #tpu.memory_space<vmem>> -> memref<128x32xf32, #tpu.memory_space<vmem>>
      %dma_wait3A_281 = arith.constant 0 : i32
      %dma_wait3A_282 = tpu.memref_slice %arg5[%dma_wait3A_274, %dma_wait3A_281] : memref<200x128xi32, #tpu.memory_space<vmem>> -> memref<1x128xi32, #tpu.memory_space<vmem>>
      %dma_wait3A_283 = tpu.memref_squeeze %dma_wait3A_282 : memref<1x128xi32, #tpu.memory_space<vmem>> -> memref<128xi32, #tpu.memory_space<vmem>>
      %dma_wait3A_284 = arith.constant 0 : i32
      %dma_wait3A_285 = arith.constant 0 : i32
      %dma_wait3A_286 = tpu.memref_slice %arg2[%dma_wait3A_284, %dma_wait3A_285] : memref<1000000x32xf32, #tpu.memory_space<hbm>> -> memref<1000000x32xf32, #tpu.memory_space<hbm>>
      %dma_wait3A_287 = tpu.memref_slice %arg7[%dma_wait3A_276] : memref<8x!tpu.dma_semaphore, #tpu.memory_space<semaphore_mem>> -> memref<1x!tpu.dma_semaphore, #tpu.memory_space<semaphore_mem>>
      %dma_wait3A_288 = tpu.memref_squeeze %dma_wait3A_287 : memref<1x!tpu.dma_semaphore, #tpu.memory_space<semaphore_mem>> -> memref<!tpu.dma_semaphore, #tpu.memory_space<semaphore_mem>>
      tpu.wait_indirect_dma semaphore(%dma_wait3A_288 : memref<!tpu.dma_semaphore, #tpu.memory_space<semaphore_mem>>) src(%dma_wait3A_286 : memref<1000000x32xf32, #tpu.memory_space<hbm>>) dst(%dma_wait3A_280 : memref<128x32xf32, #tpu.memory_space<vmem>>)
      %add3A_289 = arith.addi %mul3A_2, %add3A_273 : i32
      %mul3A_290 = arith.constant 128 : i32
      %mul3A_291 = arith.muli %add3A_289, %mul3A_290 : i32
      %dma_start3A_292 = arith.constant 0 : i32
      %dma_start3A_293 = arith.constant 0 : i32
      %dma_start3A_294 = arith.constant 0 : i32
      %dma_start3A_295 = arith.constant 0 : i32
      %dma_start3A_296 = tpu.memref_slice %arg6[%dma_start3A_292, %dma_start3A_294, %dma_start3A_295] : memref<8x128x32xf32, #tpu.memory_space<vmem>> -> memref<1x128x32xf32, #tpu.memory_space<vmem>>
      %dma_start3A_297 = tpu.memref_squeeze %dma_start3A_296 : memref<1x128x32xf32, #tpu.memory_space<vmem>> -> memref<128x32xf32, #tpu.memory_space<vmem>>
      %dma_start3A_298 = arith.constant 0 : i32
      %dma_start3A_299 = tpu.memref_slice %arg4[%mul3A_291, %dma_start3A_298] : memref<819200x32xf32, #tpu.memory_space<hbm>> -> memref<128x32xf32, #tpu.memory_space<hbm>>
      %dma_start3A_300 = tpu.memref_slice %arg8[%dma_start3A_293] : memref<8x!tpu.dma_semaphore, #tpu.memory_space<semaphore_mem>> -> memref<1x!tpu.dma_semaphore, #tpu.memory_space<semaphore_mem>>
      %dma_start3A_301 = tpu.memref_squeeze %dma_start3A_300 : memref<1x!tpu.dma_semaphore, #tpu.memory_space<semaphore_mem>> -> memref<!tpu.dma_semaphore, #tpu.memory_space<semaphore_mem>>
      %dma_start3A_302 = arith.constant 0 : i32
      %dma_start3A_303 = tpu.memref_slice %arg4[%mul3A_291, %dma_start3A_302] : memref<819200x32xf32, #tpu.memory_space<hbm>> -> memref<128x32xf32, #tpu.memory_space<hbm>>
      %dma_start3A_304 = arith.constant 0 : i32
      %dma_start3A_305 = arith.constant 0 : i32
      %dma_start3A_306 = tpu.memref_slice %arg6[%dma_start3A_292, %dma_start3A_304, %dma_start3A_305] : memref<8x128x32xf32, #tpu.memory_space<vmem>> -> memref<1x128x32xf32, #tpu.memory_space<vmem>>
      %dma_start3A_307 = tpu.memref_squeeze %dma_start3A_306 : memref<1x128x32xf32, #tpu.memory_space<vmem>> -> memref<128x32xf32, #tpu.memory_space<vmem>>
      tpu.enqueue_dma source(%dma_start3A_307 : memref<128x32xf32, #tpu.memory_space<vmem>>) target(%dma_start3A_303 : memref<128x32xf32, #tpu.memory_space<hbm>>) target_semaphore(%dma_start3A_301 : memref<!tpu.dma_semaphore, #tpu.memory_space<semaphore_mem>>)
      %mul3A_308 = arith.constant 8 : i32
      %mul3A_309 = arith.muli %scan3A_269, %mul3A_308 : i32
      %add3A_310 = arith.constant 1 : i32
      %add3A_311 = arith.addi %mul3A_309, %add3A_310 : i32
      %dma_wait3A_312 = arith.constant 1 : i32
      %dma_wait3A_313 = arith.constant 1 : i32
      %dma_wait3A_314 = arith.constant 1 : i32
      %dma_wait3A_315 = arith.constant 0 : i32
      %dma_wait3A_316 = arith.constant 0 : i32
      %dma_wait3A_317 = tpu.memref_slice %arg6[%dma_wait3A_313, %dma_wait3A_315, %dma_wait3A_316] : memref<8x128x32xf32, #tpu.memory_space<vmem>> -> memref<1x128x32xf32, #tpu.memory_space<vmem>>
      %dma_wait3A_318 = tpu.memref_squeeze %dma_wait3A_317 : memref<1x128x32xf32, #tpu.memory_space<vmem>> -> memref<128x32xf32, #tpu.memory_space<vmem>>
      %dma_wait3A_319 = arith.constant 0 : i32
      %dma_wait3A_320 = tpu.memref_slice %arg5[%dma_wait3A_312, %dma_wait3A_319] : memref<200x128xi32, #tpu.memory_space<vmem>> -> memref<1x128xi32, #tpu.memory_space<vmem>>
      %dma_wait3A_321 = tpu.memref_squeeze %dma_wait3A_320 : memref<1x128xi32, #tpu.memory_space<vmem>> -> memref<128xi32, #tpu.memory_space<vmem>>
      %dma_wait3A_322 = arith.constant 0 : i32
      %dma_wait3A_323 = arith.constant 0 : i32
      %dma_wait3A_324 = tpu.memref_slice %arg2[%dma_wait3A_322, %dma_wait3A_323] : memref<1000000x32xf32, #tpu.memory_space<hbm>> -> memref<1000000x32xf32, #tpu.memory_space<hbm>>
      %dma_wait3A_325 = tpu.memref_slice %arg7[%dma_wait3A_314] : memref<8x!tpu.dma_semaphore, #tpu.memory_space<semaphore_mem>> -> memref<1x!tpu.dma_semaphore, #tpu.memory_space<semaphore_mem>>
      %dma_wait3A_326 = tpu.memref_squeeze %dma_wait3A_325 : memref<1x!tpu.dma_semaphore, #tpu.memory_space<semaphore_mem>> -> memref<!tpu.dma_semaphore, #tpu.memory_space<semaphore_mem>>
      tpu.wait_indirect_dma semaphore(%dma_wait3A_326 : memref<!tpu.dma_semaphore, #tpu.memory_space<semaphore_mem>>) src(%dma_wait3A_324 : memref<1000000x32xf32, #tpu.memory_space<hbm>>) dst(%dma_wait3A_318 : memref<128x32xf32, #tpu.memory_space<vmem>>)
      %add3A_327 = arith.addi %mul3A_2, %add3A_311 : i32
      %mul3A_328 = arith.constant 128 : i32
      %mul3A_329 = arith.muli %add3A_327, %mul3A_328 : i32
      %dma_start3A_330 = arith.constant 1 : i32
      %dma_start3A_331 = arith.constant 1 : i32
      %dma_start3A_332 = arith.constant 0 : i32
      %dma_start3A_333 = arith.constant 0 : i32
      %dma_start3A_334 = tpu.memref_slice %arg6[%dma_start3A_330, %dma_start3A_332, %dma_start3A_333] : memref<8x128x32xf32, #tpu.memory_space<vmem>> -> memref<1x128x32xf32, #tpu.memory_space<vmem>>
      %dma_start3A_335 = tpu.memref_squeeze %dma_start3A_334 : memref<1x128x32xf32, #tpu.memory_space<vmem>> -> memref<128x32xf32, #tpu.memory_space<vmem>>
      %dma_start3A_336 = arith.constant 0 : i32
      %dma_start3A_337 = tpu.memref_slice %arg4[%mul3A_329, %dma_start3A_336] : memref<819200x32xf32, #tpu.memory_space<hbm>> -> memref<128x32xf32, #tpu.memory_space<hbm>>
      %dma_start3A_338 = tpu.memref_slice %arg8[%dma_start3A_331] : memref<8x!tpu.dma_semaphore, #tpu.memory_space<semaphore_mem>> -> memref<1x!tpu.dma_semaphore, #tpu.memory_space<semaphore_mem>>
      %dma_start3A_339 = tpu.memref_squeeze %dma_start3A_338 : memref<1x!tpu.dma_semaphore, #tpu.memory_space<semaphore_mem>> -> memref<!tpu.dma_semaphore, #tpu.memory_space<semaphore_mem>>
      %dma_start3A_340 = arith.constant 0 : i32
      %dma_start3A_341 = tpu.memref_slice %arg4[%mul3A_329, %dma_start3A_340] : memref<819200x32xf32, #tpu.memory_space<hbm>> -> memref<128x32xf32, #tpu.memory_space<hbm>>
      %dma_start3A_342 = arith.constant 0 : i32
      %dma_start3A_343 = arith.constant 0 : i32
      %dma_start3A_344 = tpu.memref_slice %arg6[%dma_start3A_330, %dma_start3A_342, %dma_start3A_343] : memref<8x128x32xf32, #tpu.memory_space<vmem>> -> memref<1x128x32xf32, #tpu.memory_space<vmem>>
      %dma_start3A_345 = tpu.memref_squeeze %dma_start3A_344 : memref<1x128x32xf32, #tpu.memory_space<vmem>> -> memref<128x32xf32, #tpu.memory_space<vmem>>
      tpu.enqueue_dma source(%dma_start3A_345 : memref<128x32xf32, #tpu.memory_space<vmem>>) target(%dma_start3A_341 : memref<128x32xf32, #tpu.memory_space<hbm>>) target_semaphore(%dma_start3A_339 : memref<!tpu.dma_semaphore, #tpu.memory_space<semaphore_mem>>)
      %mul3A_346 = arith.constant 8 : i32
      %mul3A_347 = arith.muli %scan3A_269, %mul3A_346 : i32
      %add3A_348 = arith.constant 2 : i32
      %add3A_349 = arith.addi %mul3A_347, %add3A_348 : i32
      %dma_wait3A_350 = arith.constant 2 : i32
      %dma_wait3A_351 = arith.constant 2 : i32
      %dma_wait3A_352 = arith.constant 2 : i32
      %dma_wait3A_353 = arith.constant 0 : i32
      %dma_wait3A_354 = arith.constant 0 : i32
      %dma_wait3A_355 = tpu.memref_slice %arg6[%dma_wait3A_351, %dma_wait3A_353, %dma_wait3A_354] : memref<8x128x32xf32, #tpu.memory_space<vmem>> -> memref<1x128x32xf32, #tpu.memory_space<vmem>>
      %dma_wait3A_356 = tpu.memref_squeeze %dma_wait3A_355 : memref<1x128x32xf32, #tpu.memory_space<vmem>> -> memref<128x32xf32, #tpu.memory_space<vmem>>
      %dma_wait3A_357 = arith.constant 0 : i32
      %dma_wait3A_358 = tpu.memref_slice %arg5[%dma_wait3A_350, %dma_wait3A_357] : memref<200x128xi32, #tpu.memory_space<vmem>> -> memref<1x128xi32, #tpu.memory_space<vmem>>
      %dma_wait3A_359 = tpu.memref_squeeze %dma_wait3A_358 : memref<1x128xi32, #tpu.memory_space<vmem>> -> memref<128xi32, #tpu.memory_space<vmem>>
      %dma_wait3A_360 = arith.constant 0 : i32
      %dma_wait3A_361 = arith.constant 0 : i32
      %dma_wait3A_362 = tpu.memref_slice %arg2[%dma_wait3A_360, %dma_wait3A_361] : memref<1000000x32xf32, #tpu.memory_space<hbm>> -> memref<1000000x32xf32, #tpu.memory_space<hbm>>
      %dma_wait3A_363 = tpu.memref_slice %arg7[%dma_wait3A_352] : memref<8x!tpu.dma_semaphore, #tpu.memory_space<semaphore_mem>> -> memref<1x!tpu.dma_semaphore, #tpu.memory_space<semaphore_mem>>
      %dma_wait3A_364 = tpu.memref_squeeze %dma_wait3A_363 : memref<1x!tpu.dma_semaphore, #tpu.memory_space<semaphore_mem>> -> memref<!tpu.dma_semaphore, #tpu.memory_space<semaphore_mem>>
      tpu.wait_indirect_dma semaphore(%dma_wait3A_364 : memref<!tpu.dma_semaphore, #tpu.memory_space<semaphore_mem>>) src(%dma_wait3A_362 : memref<1000000x32xf32, #tpu.memory_space<hbm>>) dst(%dma_wait3A_356 : memref<128x32xf32, #tpu.memory_space<vmem>>)
      %add3A_365 = arith.addi %mul3A_2, %add3A_349 : i32
      %mul3A_366 = arith.constant 128 : i32
      %mul3A_367 = arith.muli %add3A_365, %mul3A_366 : i32
      %dma_start3A_368 = arith.constant 2 : i32
      %dma_start3A_369 = arith.constant 2 : i32
      %dma_start3A_370 = arith.constant 0 : i32
      %dma_start3A_371 = arith.constant 0 : i32
      %dma_start3A_372 = tpu.memref_slice %arg6[%dma_start3A_368, %dma_start3A_370, %dma_start3A_371] : memref<8x128x32xf32, #tpu.memory_space<vmem>> -> memref<1x128x32xf32, #tpu.memory_space<vmem>>
      %dma_start3A_373 = tpu.memref_squeeze %dma_start3A_372 : memref<1x128x32xf32, #tpu.memory_space<vmem>> -> memref<128x32xf32, #tpu.memory_space<vmem>>
      %dma_start3A_374 = arith.constant 0 : i32
      %dma_start3A_375 = tpu.memref_slice %arg4[%mul3A_367, %dma_start3A_374] : memref<819200x32xf32, #tpu.memory_space<hbm>> -> memref<128x32xf32, #tpu.memory_space<hbm>>
      %dma_start3A_376 = tpu.memref_slice %arg8[%dma_start3A_369] : memref<8x!tpu.dma_semaphore, #tpu.memory_space<semaphore_mem>> -> memref<1x!tpu.dma_semaphore, #tpu.memory_space<semaphore_mem>>
      %dma_start3A_377 = tpu.memref_squeeze %dma_start3A_376 : memref<1x!tpu.dma_semaphore, #tpu.memory_space<semaphore_mem>> -> memref<!tpu.dma_semaphore, #tpu.memory_space<semaphore_mem>>
      %dma_start3A_378 = arith.constant 0 : i32
      %dma_start3A_379 = tpu.memref_slice %arg4[%mul3A_367, %dma_start3A_378] : memref<819200x32xf32, #tpu.memory_space<hbm>> -> memref<128x32xf32, #tpu.memory_space<hbm>>
      %dma_start3A_380 = arith.constant 0 : i32
      %dma_start3A_381 = arith.constant 0 : i32
      %dma_start3A_382 = tpu.memref_slice %arg6[%dma_start3A_368, %dma_start3A_380, %dma_start3A_381] : memref<8x128x32xf32, #tpu.memory_space<vmem>> -> memref<1x128x32xf32, #tpu.memory_space<vmem>>
      %dma_start3A_383 = tpu.memref_squeeze %dma_start3A_382 : memref<1x128x32xf32, #tpu.memory_space<vmem>> -> memref<128x32xf32, #tpu.memory_space<vmem>>
      tpu.enqueue_dma source(%dma_start3A_383 : memref<128x32xf32, #tpu.memory_space<vmem>>) target(%dma_start3A_379 : memref<128x32xf32, #tpu.memory_space<hbm>>) target_semaphore(%dma_start3A_377 : memref<!tpu.dma_semaphore, #tpu.memory_space<semaphore_mem>>)
      %mul3A_384 = arith.constant 8 : i32
      %mul3A_385 = arith.muli %scan3A_269, %mul3A_384 : i32
      %add3A_386 = arith.constant 3 : i32
      %add3A_387 = arith.addi %mul3A_385, %add3A_386 : i32
      %dma_wait3A_388 = arith.constant 3 : i32
      %dma_wait3A_389 = arith.constant 3 : i32
      %dma_wait3A_390 = arith.constant 3 : i32
      %dma_wait3A_391 = arith.constant 0 : i32
      %dma_wait3A_392 = arith.constant 0 : i32
      %dma_wait3A_393 = tpu.memref_slice %arg6[%dma_wait3A_389, %dma_wait3A_391, %dma_wait3A_392] : memref<8x128x32xf32, #tpu.memory_space<vmem>> -> memref<1x128x32xf32, #tpu.memory_space<vmem>>
      %dma_wait3A_394 = tpu.memref_squeeze %dma_wait3A_393 : memref<1x128x32xf32, #tpu.memory_space<vmem>> -> memref<128x32xf32, #tpu.memory_space<vmem>>
      %dma_wait3A_395 = arith.constant 0 : i32
      %dma_wait3A_396 = tpu.memref_slice %arg5[%dma_wait3A_388, %dma_wait3A_395] : memref<200x128xi32, #tpu.memory_space<vmem>> -> memref<1x128xi32, #tpu.memory_space<vmem>>
      %dma_wait3A_397 = tpu.memref_squeeze %dma_wait3A_396 : memref<1x128xi32, #tpu.memory_space<vmem>> -> memref<128xi32, #tpu.memory_space<vmem>>
      %dma_wait3A_398 = arith.constant 0 : i32
      %dma_wait3A_399 = arith.constant 0 : i32
      %dma_wait3A_400 = tpu.memref_slice %arg2[%dma_wait3A_398, %dma_wait3A_399] : memref<1000000x32xf32, #tpu.memory_space<hbm>> -> memref<1000000x32xf32, #tpu.memory_space<hbm>>
      %dma_wait3A_401 = tpu.memref_slice %arg7[%dma_wait3A_390] : memref<8x!tpu.dma_semaphore, #tpu.memory_space<semaphore_mem>> -> memref<1x!tpu.dma_semaphore, #tpu.memory_space<semaphore_mem>>
      %dma_wait3A_402 = tpu.memref_squeeze %dma_wait3A_401 : memref<1x!tpu.dma_semaphore, #tpu.memory_space<semaphore_mem>> -> memref<!tpu.dma_semaphore, #tpu.memory_space<semaphore_mem>>
      tpu.wait_indirect_dma semaphore(%dma_wait3A_402 : memref<!tpu.dma_semaphore, #tpu.memory_space<semaphore_mem>>) src(%dma_wait3A_400 : memref<1000000x32xf32, #tpu.memory_space<hbm>>) dst(%dma_wait3A_394 : memref<128x32xf32, #tpu.memory_space<vmem>>)
      %add3A_403 = arith.addi %mul3A_2, %add3A_387 : i32
      %mul3A_404 = arith.constant 128 : i32
      %mul3A_405 = arith.muli %add3A_403, %mul3A_404 : i32
      %dma_start3A_406 = arith.constant 3 : i32
      %dma_start3A_407 = arith.constant 3 : i32
      %dma_start3A_408 = arith.constant 0 : i32
      %dma_start3A_409 = arith.constant 0 : i32
      %dma_start3A_410 = tpu.memref_slice %arg6[%dma_start3A_406, %dma_start3A_408, %dma_start3A_409] : memref<8x128x32xf32, #tpu.memory_space<vmem>> -> memref<1x128x32xf32, #tpu.memory_space<vmem>>
      %dma_start3A_411 = tpu.memref_squeeze %dma_start3A_410 : memref<1x128x32xf32, #tpu.memory_space<vmem>> -> memref<128x32xf32, #tpu.memory_space<vmem>>
      %dma_start3A_412 = arith.constant 0 : i32
      %dma_start3A_413 = tpu.memref_slice %arg4[%mul3A_405, %dma_start3A_412] : memref<819200x32xf32, #tpu.memory_space<hbm>> -> memref<128x32xf32, #tpu.memory_space<hbm>>
      %dma_start3A_414 = tpu.memref_slice %arg8[%dma_start3A_407] : memref<8x!tpu.dma_semaphore, #tpu.memory_space<semaphore_mem>> -> memref<1x!tpu.dma_semaphore, #tpu.memory_space<semaphore_mem>>
      %dma_start3A_415 = tpu.memref_squeeze %dma_start3A_414 : memref<1x!tpu.dma_semaphore, #tpu.memory_space<semaphore_mem>> -> memref<!tpu.dma_semaphore, #tpu.memory_space<semaphore_mem>>
      %dma_start3A_416 = arith.constant 0 : i32
      %dma_start3A_417 = tpu.memref_slice %arg4[%mul3A_405, %dma_start3A_416] : memref<819200x32xf32, #tpu.memory_space<hbm>> -> memref<128x32xf32, #tpu.memory_space<hbm>>
      %dma_start3A_418 = arith.constant 0 : i32
      %dma_start3A_419 = arith.constant 0 : i32
      %dma_start3A_420 = tpu.memref_slice %arg6[%dma_start3A_406, %dma_start3A_418, %dma_start3A_419] : memref<8x128x32xf32, #tpu.memory_space<vmem>> -> memref<1x128x32xf32, #tpu.memory_space<vmem>>
      %dma_start3A_421 = tpu.memref_squeeze %dma_start3A_420 : memref<1x128x32xf32, #tpu.memory_space<vmem>> -> memref<128x32xf32, #tpu.memory_space<vmem>>
      tpu.enqueue_dma source(%dma_start3A_421 : memref<128x32xf32, #tpu.memory_space<vmem>>) target(%dma_start3A_417 : memref<128x32xf32, #tpu.memory_space<hbm>>) target_semaphore(%dma_start3A_415 : memref<!tpu.dma_semaphore, #tpu.memory_space<semaphore_mem>>)
      %mul3A_422 = arith.constant 8 : i32
      %mul3A_423 = arith.muli %scan3A_269, %mul3A_422 : i32
      %add3A_424 = arith.constant 4 : i32
      %add3A_425 = arith.addi %mul3A_423, %add3A_424 : i32
      %dma_wait3A_426 = arith.constant 4 : i32
      %dma_wait3A_427 = arith.constant 4 : i32
      %dma_wait3A_428 = arith.constant 4 : i32
      %dma_wait3A_429 = arith.constant 0 : i32
      %dma_wait3A_430 = arith.constant 0 : i32
      %dma_wait3A_431 = tpu.memref_slice %arg6[%dma_wait3A_427, %dma_wait3A_429, %dma_wait3A_430] : memref<8x128x32xf32, #tpu.memory_space<vmem>> -> memref<1x128x32xf32, #tpu.memory_space<vmem>>
      %dma_wait3A_432 = tpu.memref_squeeze %dma_wait3A_431 : memref<1x128x32xf32, #tpu.memory_space<vmem>> -> memref<128x32xf32, #tpu.memory_space<vmem>>
      %dma_wait3A_433 = arith.constant 0 : i32
      %dma_wait3A_434 = tpu.memref_slice %arg5[%dma_wait3A_426, %dma_wait3A_433] : memref<200x128xi32, #tpu.memory_space<vmem>> -> memref<1x128xi32, #tpu.memory_space<vmem>>
      %dma_wait3A_435 = tpu.memref_squeeze %dma_wait3A_434 : memref<1x128xi32, #tpu.memory_space<vmem>> -> memref<128xi32, #tpu.memory_space<vmem>>
      %dma_wait3A_436 = arith.constant 0 : i32
      %dma_wait3A_437 = arith.constant 0 : i32
      %dma_wait3A_438 = tpu.memref_slice %arg2[%dma_wait3A_436, %dma_wait3A_437] : memref<1000000x32xf32, #tpu.memory_space<hbm>> -> memref<1000000x32xf32, #tpu.memory_space<hbm>>
      %dma_wait3A_439 = tpu.memref_slice %arg7[%dma_wait3A_428] : memref<8x!tpu.dma_semaphore, #tpu.memory_space<semaphore_mem>> -> memref<1x!tpu.dma_semaphore, #tpu.memory_space<semaphore_mem>>
      %dma_wait3A_440 = tpu.memref_squeeze %dma_wait3A_439 : memref<1x!tpu.dma_semaphore, #tpu.memory_space<semaphore_mem>> -> memref<!tpu.dma_semaphore, #tpu.memory_space<semaphore_mem>>
      tpu.wait_indirect_dma semaphore(%dma_wait3A_440 : memref<!tpu.dma_semaphore, #tpu.memory_space<semaphore_mem>>) src(%dma_wait3A_438 : memref<1000000x32xf32, #tpu.memory_space<hbm>>) dst(%dma_wait3A_432 : memref<128x32xf32, #tpu.memory_space<vmem>>)
      %add3A_441 = arith.addi %mul3A_2, %add3A_425 : i32
      %mul3A_442 = arith.constant 128 : i32
      %mul3A_443 = arith.muli %add3A_441, %mul3A_442 : i32
      %dma_start3A_444 = arith.constant 4 : i32
      %dma_start3A_445 = arith.constant 4 : i32
      %dma_start3A_446 = arith.constant 0 : i32
      %dma_start3A_447 = arith.constant 0 : i32
      %dma_start3A_448 = tpu.memref_slice %arg6[%dma_start3A_444, %dma_start3A_446, %dma_start3A_447] : memref<8x128x32xf32, #tpu.memory_space<vmem>> -> memref<1x128x32xf32, #tpu.memory_space<vmem>>
      %dma_start3A_449 = tpu.memref_squeeze %dma_start3A_448 : memref<1x128x32xf32, #tpu.memory_space<vmem>> -> memref<128x32xf32, #tpu.memory_space<vmem>>
      %dma_start3A_450 = arith.constant 0 : i32
      %dma_start3A_451 = tpu.memref_slice %arg4[%mul3A_443, %dma_start3A_450] : memref<819200x32xf32, #tpu.memory_space<hbm>> -> memref<128x32xf32, #tpu.memory_space<hbm>>
      %dma_start3A_452 = tpu.memref_slice %arg8[%dma_start3A_445] : memref<8x!tpu.dma_semaphore, #tpu.memory_space<semaphore_mem>> -> memref<1x!tpu.dma_semaphore, #tpu.memory_space<semaphore_mem>>
      %dma_start3A_453 = tpu.memref_squeeze %dma_start3A_452 : memref<1x!tpu.dma_semaphore, #tpu.memory_space<semaphore_mem>> -> memref<!tpu.dma_semaphore, #tpu.memory_space<semaphore_mem>>
      %dma_start3A_454 = arith.constant 0 : i32
      %dma_start3A_455 = tpu.memref_slice %arg4[%mul3A_443, %dma_start3A_454] : memref<819200x32xf32, #tpu.memory_space<hbm>> -> memref<128x32xf32, #tpu.memory_space<hbm>>
      %dma_start3A_456 = arith.constant 0 : i32
      %dma_start3A_457 = arith.constant 0 : i32
      %dma_start3A_458 = tpu.memref_slice %arg6[%dma_start3A_444, %dma_start3A_456, %dma_start3A_457] : memref<8x128x32xf32, #tpu.memory_space<vmem>> -> memref<1x128x32xf32, #tpu.memory_space<vmem>>
      %dma_start3A_459 = tpu.memref_squeeze %dma_start3A_458 : memref<1x128x32xf32, #tpu.memory_space<vmem>> -> memref<128x32xf32, #tpu.memory_space<vmem>>
      tpu.enqueue_dma source(%dma_start3A_459 : memref<128x32xf32, #tpu.memory_space<vmem>>) target(%dma_start3A_455 : memref<128x32xf32, #tpu.memory_space<hbm>>) target_semaphore(%dma_start3A_453 : memref<!tpu.dma_semaphore, #tpu.memory_space<semaphore_mem>>)
      %mul3A_460 = arith.constant 8 : i32
      %mul3A_461 = arith.muli %scan3A_269, %mul3A_460 : i32
      %add3A_462 = arith.constant 5 : i32
      %add3A_463 = arith.addi %mul3A_461, %add3A_462 : i32
      %dma_wait3A_464 = arith.constant 5 : i32
      %dma_wait3A_465 = arith.constant 5 : i32
      %dma_wait3A_466 = arith.constant 5 : i32
      %dma_wait3A_467 = arith.constant 0 : i32
      %dma_wait3A_468 = arith.constant 0 : i32
      %dma_wait3A_469 = tpu.memref_slice %arg6[%dma_wait3A_465, %dma_wait3A_467, %dma_wait3A_468] : memref<8x128x32xf32, #tpu.memory_space<vmem>> -> memref<1x128x32xf32, #tpu.memory_space<vmem>>
      %dma_wait3A_470 = tpu.memref_squeeze %dma_wait3A_469 : memref<1x128x32xf32, #tpu.memory_space<vmem>> -> memref<128x32xf32, #tpu.memory_space<vmem>>
      %dma_wait3A_471 = arith.constant 0 : i32
      %dma_wait3A_472 = tpu.memref_slice %arg5[%dma_wait3A_464, %dma_wait3A_471] : memref<200x128xi32, #tpu.memory_space<vmem>> -> memref<1x128xi32, #tpu.memory_space<vmem>>
      %dma_wait3A_473 = tpu.memref_squeeze %dma_wait3A_472 : memref<1x128xi32, #tpu.memory_space<vmem>> -> memref<128xi32, #tpu.memory_space<vmem>>
      %dma_wait3A_474 = arith.constant 0 : i32
      %dma_wait3A_475 = arith.constant 0 : i32
      %dma_wait3A_476 = tpu.memref_slice %arg2[%dma_wait3A_474, %dma_wait3A_475] : memref<1000000x32xf32, #tpu.memory_space<hbm>> -> memref<1000000x32xf32, #tpu.memory_space<hbm>>
      %dma_wait3A_477 = tpu.memref_slice %arg7[%dma_wait3A_466] : memref<8x!tpu.dma_semaphore, #tpu.memory_space<semaphore_mem>> -> memref<1x!tpu.dma_semaphore, #tpu.memory_space<semaphore_mem>>
      %dma_wait3A_478 = tpu.memref_squeeze %dma_wait3A_477 : memref<1x!tpu.dma_semaphore, #tpu.memory_space<semaphore_mem>> -> memref<!tpu.dma_semaphore, #tpu.memory_space<semaphore_mem>>
      tpu.wait_indirect_dma semaphore(%dma_wait3A_478 : memref<!tpu.dma_semaphore, #tpu.memory_space<semaphore_mem>>) src(%dma_wait3A_476 : memref<1000000x32xf32, #tpu.memory_space<hbm>>) dst(%dma_wait3A_470 : memref<128x32xf32, #tpu.memory_space<vmem>>)
      %add3A_479 = arith.addi %mul3A_2, %add3A_463 : i32
      %mul3A_480 = arith.constant 128 : i32
      %mul3A_481 = arith.muli %add3A_479, %mul3A_480 : i32
      %dma_start3A_482 = arith.constant 5 : i32
      %dma_start3A_483 = arith.constant 5 : i32
      %dma_start3A_484 = arith.constant 0 : i32
      %dma_start3A_485 = arith.constant 0 : i32
      %dma_start3A_486 = tpu.memref_slice %arg6[%dma_start3A_482, %dma_start3A_484, %dma_start3A_485] : memref<8x128x32xf32, #tpu.memory_space<vmem>> -> memref<1x128x32xf32, #tpu.memory_space<vmem>>
      %dma_start3A_487 = tpu.memref_squeeze %dma_start3A_486 : memref<1x128x32xf32, #tpu.memory_space<vmem>> -> memref<128x32xf32, #tpu.memory_space<vmem>>
      %dma_start3A_488 = arith.constant 0 : i32
      %dma_start3A_489 = tpu.memref_slice %arg4[%mul3A_481, %dma_start3A_488] : memref<819200x32xf32, #tpu.memory_space<hbm>> -> memref<128x32xf32, #tpu.memory_space<hbm>>
      %dma_start3A_490 = tpu.memref_slice %arg8[%dma_start3A_483] : memref<8x!tpu.dma_semaphore, #tpu.memory_space<semaphore_mem>> -> memref<1x!tpu.dma_semaphore, #tpu.memory_space<semaphore_mem>>
      %dma_start3A_491 = tpu.memref_squeeze %dma_start3A_490 : memref<1x!tpu.dma_semaphore, #tpu.memory_space<semaphore_mem>> -> memref<!tpu.dma_semaphore, #tpu.memory_space<semaphore_mem>>
      %dma_start3A_492 = arith.constant 0 : i32
      %dma_start3A_493 = tpu.memref_slice %arg4[%mul3A_481, %dma_start3A_492] : memref<819200x32xf32, #tpu.memory_space<hbm>> -> memref<128x32xf32, #tpu.memory_space<hbm>>
      %dma_start3A_494 = arith.constant 0 : i32
      %dma_start3A_495 = arith.constant 0 : i32
      %dma_start3A_496 = tpu.memref_slice %arg6[%dma_start3A_482, %dma_start3A_494, %dma_start3A_495] : memref<8x128x32xf32, #tpu.memory_space<vmem>> -> memref<1x128x32xf32, #tpu.memory_space<vmem>>
      %dma_start3A_497 = tpu.memref_squeeze %dma_start3A_496 : memref<1x128x32xf32, #tpu.memory_space<vmem>> -> memref<128x32xf32, #tpu.memory_space<vmem>>
      tpu.enqueue_dma source(%dma_start3A_497 : memref<128x32xf32, #tpu.memory_space<vmem>>) target(%dma_start3A_493 : memref<128x32xf32, #tpu.memory_space<hbm>>) target_semaphore(%dma_start3A_491 : memref<!tpu.dma_semaphore, #tpu.memory_space<semaphore_mem>>)
      %mul3A_498 = arith.constant 8 : i32
      %mul3A_499 = arith.muli %scan3A_269, %mul3A_498 : i32
      %add3A_500 = arith.constant 6 : i32
      %add3A_501 = arith.addi %mul3A_499, %add3A_500 : i32
      %dma_wait3A_502 = arith.constant 6 : i32
      %dma_wait3A_503 = arith.constant 6 : i32
      %dma_wait3A_504 = arith.constant 6 : i32
      %dma_wait3A_505 = arith.constant 0 : i32
      %dma_wait3A_506 = arith.constant 0 : i32
      %dma_wait3A_507 = tpu.memref_slice %arg6[%dma_wait3A_503, %dma_wait3A_505, %dma_wait3A_506] : memref<8x128x32xf32, #tpu.memory_space<vmem>> -> memref<1x128x32xf32, #tpu.memory_space<vmem>>
      %dma_wait3A_508 = tpu.memref_squeeze %dma_wait3A_507 : memref<1x128x32xf32, #tpu.memory_space<vmem>> -> memref<128x32xf32, #tpu.memory_space<vmem>>
      %dma_wait3A_509 = arith.constant 0 : i32
      %dma_wait3A_510 = tpu.memref_slice %arg5[%dma_wait3A_502, %dma_wait3A_509] : memref<200x128xi32, #tpu.memory_space<vmem>> -> memref<1x128xi32, #tpu.memory_space<vmem>>
      %dma_wait3A_511 = tpu.memref_squeeze %dma_wait3A_510 : memref<1x128xi32, #tpu.memory_space<vmem>> -> memref<128xi32, #tpu.memory_space<vmem>>
      %dma_wait3A_512 = arith.constant 0 : i32
      %dma_wait3A_513 = arith.constant 0 : i32
      %dma_wait3A_514 = tpu.memref_slice %arg2[%dma_wait3A_512, %dma_wait3A_513] : memref<1000000x32xf32, #tpu.memory_space<hbm>> -> memref<1000000x32xf32, #tpu.memory_space<hbm>>
      %dma_wait3A_515 = tpu.memref_slice %arg7[%dma_wait3A_504] : memref<8x!tpu.dma_semaphore, #tpu.memory_space<semaphore_mem>> -> memref<1x!tpu.dma_semaphore, #tpu.memory_space<semaphore_mem>>
      %dma_wait3A_516 = tpu.memref_squeeze %dma_wait3A_515 : memref<1x!tpu.dma_semaphore, #tpu.memory_space<semaphore_mem>> -> memref<!tpu.dma_semaphore, #tpu.memory_space<semaphore_mem>>
      tpu.wait_indirect_dma semaphore(%dma_wait3A_516 : memref<!tpu.dma_semaphore, #tpu.memory_space<semaphore_mem>>) src(%dma_wait3A_514 : memref<1000000x32xf32, #tpu.memory_space<hbm>>) dst(%dma_wait3A_508 : memref<128x32xf32, #tpu.memory_space<vmem>>)
      %add3A_517 = arith.addi %mul3A_2, %add3A_501 : i32
      %mul3A_518 = arith.constant 128 : i32
      %mul3A_519 = arith.muli %add3A_517, %mul3A_518 : i32
      %dma_start3A_520 = arith.constant 6 : i32
      %dma_start3A_521 = arith.constant 6 : i32
      %dma_start3A_522 = arith.constant 0 : i32
      %dma_start3A_523 = arith.constant 0 : i32
      %dma_start3A_524 = tpu.memref_slice %arg6[%dma_start3A_520, %dma_start3A_522, %dma_start3A_523] : memref<8x128x32xf32, #tpu.memory_space<vmem>> -> memref<1x128x32xf32, #tpu.memory_space<vmem>>
      %dma_start3A_525 = tpu.memref_squeeze %dma_start3A_524 : memref<1x128x32xf32, #tpu.memory_space<vmem>> -> memref<128x32xf32, #tpu.memory_space<vmem>>
      %dma_start3A_526 = arith.constant 0 : i32
      %dma_start3A_527 = tpu.memref_slice %arg4[%mul3A_519, %dma_start3A_526] : memref<819200x32xf32, #tpu.memory_space<hbm>> -> memref<128x32xf32, #tpu.memory_space<hbm>>
      %dma_start3A_528 = tpu.memref_slice %arg8[%dma_start3A_521] : memref<8x!tpu.dma_semaphore, #tpu.memory_space<semaphore_mem>> -> memref<1x!tpu.dma_semaphore, #tpu.memory_space<semaphore_mem>>
      %dma_start3A_529 = tpu.memref_squeeze %dma_start3A_528 : memref<1x!tpu.dma_semaphore, #tpu.memory_space<semaphore_mem>> -> memref<!tpu.dma_semaphore, #tpu.memory_space<semaphore_mem>>
      %dma_start3A_530 = arith.constant 0 : i32
      %dma_start3A_531 = tpu.memref_slice %arg4[%mul3A_519, %dma_start3A_530] : memref<819200x32xf32, #tpu.memory_space<hbm>> -> memref<128x32xf32, #tpu.memory_space<hbm>>
      %dma_start3A_532 = arith.constant 0 : i32
      %dma_start3A_533 = arith.constant 0 : i32
      %dma_start3A_534 = tpu.memref_slice %arg6[%dma_start3A_520, %dma_start3A_532, %dma_start3A_533] : memref<8x128x32xf32, #tpu.memory_space<vmem>> -> memref<1x128x32xf32, #tpu.memory_space<vmem>>
      %dma_start3A_535 = tpu.memref_squeeze %dma_start3A_534 : memref<1x128x32xf32, #tpu.memory_space<vmem>> -> memref<128x32xf32, #tpu.memory_space<vmem>>
      tpu.enqueue_dma source(%dma_start3A_535 : memref<128x32xf32, #tpu.memory_space<vmem>>) target(%dma_start3A_531 : memref<128x32xf32, #tpu.memory_space<hbm>>) target_semaphore(%dma_start3A_529 : memref<!tpu.dma_semaphore, #tpu.memory_space<semaphore_mem>>)
      %mul3A_536 = arith.constant 8 : i32
      %mul3A_537 = arith.muli %scan3A_269, %mul3A_536 : i32
      %add3A_538 = arith.constant 7 : i32
      %add3A_539 = arith.addi %mul3A_537, %add3A_538 : i32
      %dma_wait3A_540 = arith.constant 7 : i32
      %dma_wait3A_541 = arith.constant 7 : i32
      %dma_wait3A_542 = arith.constant 7 : i32
      %dma_wait3A_543 = arith.constant 0 : i32
      %dma_wait3A_544 = arith.constant 0 : i32
      %dma_wait3A_545 = tpu.memref_slice %arg6[%dma_wait3A_541, %dma_wait3A_543, %dma_wait3A_544] : memref<8x128x32xf32, #tpu.memory_space<vmem>> -> memref<1x128x32xf32, #tpu.memory_space<vmem>>
      %dma_wait3A_546 = tpu.memref_squeeze %dma_wait3A_545 : memref<1x128x32xf32, #tpu.memory_space<vmem>> -> memref<128x32xf32, #tpu.memory_space<vmem>>
      %dma_wait3A_547 = arith.constant 0 : i32
      %dma_wait3A_548 = tpu.memref_slice %arg5[%dma_wait3A_540, %dma_wait3A_547] : memref<200x128xi32, #tpu.memory_space<vmem>> -> memref<1x128xi32, #tpu.memory_space<vmem>>
      %dma_wait3A_549 = tpu.memref_squeeze %dma_wait3A_548 : memref<1x128xi32, #tpu.memory_space<vmem>> -> memref<128xi32, #tpu.memory_space<vmem>>
      %dma_wait3A_550 = arith.constant 0 : i32
      %dma_wait3A_551 = arith.constant 0 : i32
      %dma_wait3A_552 = tpu.memref_slice %arg2[%dma_wait3A_550, %dma_wait3A_551] : memref<1000000x32xf32, #tpu.memory_space<hbm>> -> memref<1000000x32xf32, #tpu.memory_space<hbm>>
      %dma_wait3A_553 = tpu.memref_slice %arg7[%dma_wait3A_542] : memref<8x!tpu.dma_semaphore, #tpu.memory_space<semaphore_mem>> -> memref<1x!tpu.dma_semaphore, #tpu.memory_space<semaphore_mem>>
      %dma_wait3A_554 = tpu.memref_squeeze %dma_wait3A_553 : memref<1x!tpu.dma_semaphore, #tpu.memory_space<semaphore_mem>> -> memref<!tpu.dma_semaphore, #tpu.memory_space<semaphore_mem>>
      tpu.wait_indirect_dma semaphore(%dma_wait3A_554 : memref<!tpu.dma_semaphore, #tpu.memory_space<semaphore_mem>>) src(%dma_wait3A_552 : memref<1000000x32xf32, #tpu.memory_space<hbm>>) dst(%dma_wait3A_546 : memref<128x32xf32, #tpu.memory_space<vmem>>)
      %add3A_555 = arith.addi %mul3A_2, %add3A_539 : i32
      %mul3A_556 = arith.constant 128 : i32
      %mul3A_557 = arith.muli %add3A_555, %mul3A_556 : i32
      %dma_start3A_558 = arith.constant 7 : i32
      %dma_start3A_559 = arith.constant 7 : i32
      %dma_start3A_560 = arith.constant 0 : i32
      %dma_start3A_561 = arith.constant 0 : i32
      %dma_start3A_562 = tpu.memref_slice %arg6[%dma_start3A_558, %dma_start3A_560, %dma_start3A_561] : memref<8x128x32xf32, #tpu.memory_space<vmem>> -> memref<1x128x32xf32, #tpu.memory_space<vmem>>
      %dma_start3A_563 = tpu.memref_squeeze %dma_start3A_562 : memref<1x128x32xf32, #tpu.memory_space<vmem>> -> memref<128x32xf32, #tpu.memory_space<vmem>>
      %dma_start3A_564 = arith.constant 0 : i32
      %dma_start3A_565 = tpu.memref_slice %arg4[%mul3A_557, %dma_start3A_564] : memref<819200x32xf32, #tpu.memory_space<hbm>> -> memref<128x32xf32, #tpu.memory_space<hbm>>
      %dma_start3A_566 = tpu.memref_slice %arg8[%dma_start3A_559] : memref<8x!tpu.dma_semaphore, #tpu.memory_space<semaphore_mem>> -> memref<1x!tpu.dma_semaphore, #tpu.memory_space<semaphore_mem>>
      %dma_start3A_567 = tpu.memref_squeeze %dma_start3A_566 : memref<1x!tpu.dma_semaphore, #tpu.memory_space<semaphore_mem>> -> memref<!tpu.dma_semaphore, #tpu.memory_space<semaphore_mem>>
      %dma_start3A_568 = arith.constant 0 : i32
      %dma_start3A_569 = tpu.memref_slice %arg4[%mul3A_557, %dma_start3A_568] : memref<819200x32xf32, #tpu.memory_space<hbm>> -> memref<128x32xf32, #tpu.memory_space<hbm>>
      %dma_start3A_570 = arith.constant 0 : i32
      %dma_start3A_571 = arith.constant 0 : i32
      %dma_start3A_572 = tpu.memref_slice %arg6[%dma_start3A_558, %dma_start3A_570, %dma_start3A_571] : memref<8x128x32xf32, #tpu.memory_space<vmem>> -> memref<1x128x32xf32, #tpu.memory_space<vmem>>
      %dma_start3A_573 = tpu.memref_squeeze %dma_start3A_572 : memref<1x128x32xf32, #tpu.memory_space<vmem>> -> memref<128x32xf32, #tpu.memory_space<vmem>>
      tpu.enqueue_dma source(%dma_start3A_573 : memref<128x32xf32, #tpu.memory_space<vmem>>) target(%dma_start3A_569 : memref<128x32xf32, #tpu.memory_space<hbm>>) target_semaphore(%dma_start3A_567 : memref<!tpu.dma_semaphore, #tpu.memory_space<semaphore_mem>>)
      %add3A_574 = arith.constant 1 : i32
      %add3A_575 = arith.addi %scan3A_269, %add3A_574 : i32
      %lt3A = arith.constant 25 : i32
      %lt3A_576 = arith.cmpi slt, %add3A_575, %lt3A : i32
      %convert_element_type3A = arith.extui %lt3A_576 : i1 to i32
      %cond3A = arith.constant 0 : i32
      %cond3A_577 = arith.cmpi ne, %convert_element_type3A, %cond3A : i32
      scf.if %cond3A_577 {
        %add3A_578 = arith.constant 1 : i32
        %add3A_579 = arith.addi %scan3A_269, %add3A_578 : i32
        %mul3A_580 = arith.constant 8 : i32
        %mul3A_581 = arith.muli %add3A_579, %mul3A_580 : i32
        %add3A_582 = arith.constant 0 : i32
        %add3A_583 = arith.addi %mul3A_581, %add3A_582 : i32
        %mul3A_584 = arith.constant 128 : i32
        %mul3A_585 = arith.muli %mul3A_2, %mul3A_584 : i32
        %dma_wait3A_586 = arith.constant 0 : i32
        %dma_wait3A_587 = arith.constant 0 : i32
        %dma_wait3A_588 = arith.constant 0 : i32
        %dma_wait3A_589 = arith.constant 0 : i32
        %dma_wait3A_590 = tpu.memref_slice %arg6[%dma_wait3A_586, %dma_wait3A_588, %dma_wait3A_589] : memref<8x128x32xf32, #tpu.memory_space<vmem>> -> memref<1x128x32xf32, #tpu.memory_space<vmem>>
        %dma_wait3A_591 = tpu.memref_squeeze %dma_wait3A_590 : memref<1x128x32xf32, #tpu.memory_space<vmem>> -> memref<128x32xf32, #tpu.memory_space<vmem>>
        %dma_wait3A_592 = arith.constant 0 : i32
        %dma_wait3A_593 = tpu.memref_slice %arg4[%mul3A_585, %dma_wait3A_592] : memref<819200x32xf32, #tpu.memory_space<hbm>> -> memref<128x32xf32, #tpu.memory_space<hbm>>
        %dma_wait3A_594 = tpu.memref_slice %arg8[%dma_wait3A_587] : memref<8x!tpu.dma_semaphore, #tpu.memory_space<semaphore_mem>> -> memref<1x!tpu.dma_semaphore, #tpu.memory_space<semaphore_mem>>
        %dma_wait3A_595 = tpu.memref_squeeze %dma_wait3A_594 : memref<1x!tpu.dma_semaphore, #tpu.memory_space<semaphore_mem>> -> memref<!tpu.dma_semaphore, #tpu.memory_space<semaphore_mem>>
        %dma_wait3A_596 = arith.constant 0 : i32
        %dma_wait3A_597 = tpu.memref_slice %arg4[%mul3A_585, %dma_wait3A_596] : memref<819200x32xf32, #tpu.memory_space<hbm>> -> memref<128x32xf32, #tpu.memory_space<hbm>>
        %dma_wait3A_598 = arith.constant 0 : i32
        %dma_wait3A_599 = arith.constant 0 : i32
        %dma_wait3A_600 = tpu.memref_slice %arg6[%dma_wait3A_586, %dma_wait3A_598, %dma_wait3A_599] : memref<8x128x32xf32, #tpu.memory_space<vmem>> -> memref<1x128x32xf32, #tpu.memory_space<vmem>>
        %dma_wait3A_601 = tpu.memref_squeeze %dma_wait3A_600 : memref<1x128x32xf32, #tpu.memory_space<vmem>> -> memref<128x32xf32, #tpu.memory_space<vmem>>
        tpu.wait_dma2 semaphore(%dma_wait3A_595 : memref<!tpu.dma_semaphore, #tpu.memory_space<semaphore_mem>>) src(%dma_wait3A_601 : memref<128x32xf32, #tpu.memory_space<vmem>>) dst(%dma_wait3A_597 : memref<128x32xf32, #tpu.memory_space<hbm>>)
        %dma_start3A_602 = arith.constant 0 : i32
        %dma_start3A_603 = arith.constant 0 : i32
        %dma_start3A_604 = arith.constant 0 : i32
        %dma_start3A_605 = arith.constant 0 : i32
        %dma_start3A_606 = tpu.memref_slice %arg6[%dma_start3A_602, %dma_start3A_604, %dma_start3A_605] : memref<8x128x32xf32, #tpu.memory_space<vmem>> -> memref<1x128x32xf32, #tpu.memory_space<vmem>>
        %dma_start3A_607 = tpu.memref_squeeze %dma_start3A_606 : memref<1x128x32xf32, #tpu.memory_space<vmem>> -> memref<128x32xf32, #tpu.memory_space<vmem>>
        %dma_start3A_608 = arith.constant 0 : i32
        %dma_start3A_609 = tpu.memref_slice %arg5[%add3A_583, %dma_start3A_608] : memref<200x128xi32, #tpu.memory_space<vmem>> -> memref<1x128xi32, #tpu.memory_space<vmem>>
        %dma_start3A_610 = tpu.memref_squeeze %dma_start3A_609 : memref<1x128xi32, #tpu.memory_space<vmem>> -> memref<128xi32, #tpu.memory_space<vmem>>
        %dma_start3A_611 = arith.constant 0 : i32
        %dma_start3A_612 = arith.constant 0 : i32
        %dma_start3A_613 = tpu.memref_slice %arg2[%dma_start3A_611, %dma_start3A_612] : memref<1000000x32xf32, #tpu.memory_space<hbm>> -> memref<1000000x32xf32, #tpu.memory_space<hbm>>
        %dma_start3A_614 = tpu.memref_slice %arg7[%dma_start3A_603] : memref<8x!tpu.dma_semaphore, #tpu.memory_space<semaphore_mem>> -> memref<1x!tpu.dma_semaphore, #tpu.memory_space<semaphore_mem>>
        %dma_start3A_615 = tpu.memref_squeeze %dma_start3A_614 : memref<1x!tpu.dma_semaphore, #tpu.memory_space<semaphore_mem>> -> memref<!tpu.dma_semaphore, #tpu.memory_space<semaphore_mem>>
        tpu.enqueue_indirect_dma source(%dma_start3A_613 : memref<1000000x32xf32, #tpu.memory_space<hbm>>) target(%dma_start3A_607 : memref<128x32xf32, #tpu.memory_space<vmem>>) offsets(%dma_start3A_610 : memref<128xi32, #tpu.memory_space<vmem>>) semaphore(%dma_start3A_615 : memref<!tpu.dma_semaphore, #tpu.memory_space<semaphore_mem>>)
        %add3A_616 = arith.constant 1 : i32
        %add3A_617 = arith.addi %scan3A_269, %add3A_616 : i32
        %mul3A_618 = arith.constant 8 : i32
        %mul3A_619 = arith.muli %add3A_617, %mul3A_618 : i32
        %add3A_620 = arith.constant 1 : i32
        %add3A_621 = arith.addi %mul3A_619, %add3A_620 : i32
        %mul3A_622 = arith.constant 128 : i32
        %mul3A_623 = arith.muli %mul3A_2, %mul3A_622 : i32
        %dma_wait3A_624 = arith.constant 1 : i32
        %dma_wait3A_625 = arith.constant 1 : i32
        %dma_wait3A_626 = arith.constant 0 : i32
        %dma_wait3A_627 = arith.constant 0 : i32
        %dma_wait3A_628 = tpu.memref_slice %arg6[%dma_wait3A_624, %dma_wait3A_626, %dma_wait3A_627] : memref<8x128x32xf32, #tpu.memory_space<vmem>> -> memref<1x128x32xf32, #tpu.memory_space<vmem>>
        %dma_wait3A_629 = tpu.memref_squeeze %dma_wait3A_628 : memref<1x128x32xf32, #tpu.memory_space<vmem>> -> memref<128x32xf32, #tpu.memory_space<vmem>>
        %dma_wait3A_630 = arith.constant 0 : i32
        %dma_wait3A_631 = tpu.memref_slice %arg4[%mul3A_623, %dma_wait3A_630] : memref<819200x32xf32, #tpu.memory_space<hbm>> -> memref<128x32xf32, #tpu.memory_space<hbm>>
        %dma_wait3A_632 = tpu.memref_slice %arg8[%dma_wait3A_625] : memref<8x!tpu.dma_semaphore, #tpu.memory_space<semaphore_mem>> -> memref<1x!tpu.dma_semaphore, #tpu.memory_space<semaphore_mem>>
        %dma_wait3A_633 = tpu.memref_squeeze %dma_wait3A_632 : memref<1x!tpu.dma_semaphore, #tpu.memory_space<semaphore_mem>> -> memref<!tpu.dma_semaphore, #tpu.memory_space<semaphore_mem>>
        %dma_wait3A_634 = arith.constant 0 : i32
        %dma_wait3A_635 = tpu.memref_slice %arg4[%mul3A_623, %dma_wait3A_634] : memref<819200x32xf32, #tpu.memory_space<hbm>> -> memref<128x32xf32, #tpu.memory_space<hbm>>
        %dma_wait3A_636 = arith.constant 0 : i32
        %dma_wait3A_637 = arith.constant 0 : i32
        %dma_wait3A_638 = tpu.memref_slice %arg6[%dma_wait3A_624, %dma_wait3A_636, %dma_wait3A_637] : memref<8x128x32xf32, #tpu.memory_space<vmem>> -> memref<1x128x32xf32, #tpu.memory_space<vmem>>
        %dma_wait3A_639 = tpu.memref_squeeze %dma_wait3A_638 : memref<1x128x32xf32, #tpu.memory_space<vmem>> -> memref<128x32xf32, #tpu.memory_space<vmem>>
        tpu.wait_dma2 semaphore(%dma_wait3A_633 : memref<!tpu.dma_semaphore, #tpu.memory_space<semaphore_mem>>) src(%dma_wait3A_639 : memref<128x32xf32, #tpu.memory_space<vmem>>) dst(%dma_wait3A_635 : memref<128x32xf32, #tpu.memory_space<hbm>>)
        %dma_start3A_640 = arith.constant 1 : i32
        %dma_start3A_641 = arith.constant 1 : i32
        %dma_start3A_642 = arith.constant 0 : i32
        %dma_start3A_643 = arith.constant 0 : i32
        %dma_start3A_644 = tpu.memref_slice %arg6[%dma_start3A_640, %dma_start3A_642, %dma_start3A_643] : memref<8x128x32xf32, #tpu.memory_space<vmem>> -> memref<1x128x32xf32, #tpu.memory_space<vmem>>
        %dma_start3A_645 = tpu.memref_squeeze %dma_start3A_644 : memref<1x128x32xf32, #tpu.memory_space<vmem>> -> memref<128x32xf32, #tpu.memory_space<vmem>>
        %dma_start3A_646 = arith.constant 0 : i32
        %dma_start3A_647 = tpu.memref_slice %arg5[%add3A_621, %dma_start3A_646] : memref<200x128xi32, #tpu.memory_space<vmem>> -> memref<1x128xi32, #tpu.memory_space<vmem>>
        %dma_start3A_648 = tpu.memref_squeeze %dma_start3A_647 : memref<1x128xi32, #tpu.memory_space<vmem>> -> memref<128xi32, #tpu.memory_space<vmem>>
        %dma_start3A_649 = arith.constant 0 : i32
        %dma_start3A_650 = arith.constant 0 : i32
        %dma_start3A_651 = tpu.memref_slice %arg2[%dma_start3A_649, %dma_start3A_650] : memref<1000000x32xf32, #tpu.memory_space<hbm>> -> memref<1000000x32xf32, #tpu.memory_space<hbm>>
        %dma_start3A_652 = tpu.memref_slice %arg7[%dma_start3A_641] : memref<8x!tpu.dma_semaphore, #tpu.memory_space<semaphore_mem>> -> memref<1x!tpu.dma_semaphore, #tpu.memory_space<semaphore_mem>>
        %dma_start3A_653 = tpu.memref_squeeze %dma_start3A_652 : memref<1x!tpu.dma_semaphore, #tpu.memory_space<semaphore_mem>> -> memref<!tpu.dma_semaphore, #tpu.memory_space<semaphore_mem>>
        tpu.enqueue_indirect_dma source(%dma_start3A_651 : memref<1000000x32xf32, #tpu.memory_space<hbm>>) target(%dma_start3A_645 : memref<128x32xf32, #tpu.memory_space<vmem>>) offsets(%dma_start3A_648 : memref<128xi32, #tpu.memory_space<vmem>>) semaphore(%dma_start3A_653 : memref<!tpu.dma_semaphore, #tpu.memory_space<semaphore_mem>>)
        %add3A_654 = arith.constant 1 : i32
        %add3A_655 = arith.addi %scan3A_269, %add3A_654 : i32
        %mul3A_656 = arith.constant 8 : i32
        %mul3A_657 = arith.muli %add3A_655, %mul3A_656 : i32
        %add3A_658 = arith.constant 2 : i32
        %add3A_659 = arith.addi %mul3A_657, %add3A_658 : i32
        %mul3A_660 = arith.constant 128 : i32
        %mul3A_661 = arith.muli %mul3A_2, %mul3A_660 : i32
        %dma_wait3A_662 = arith.constant 2 : i32
        %dma_wait3A_663 = arith.constant 2 : i32
        %dma_wait3A_664 = arith.constant 0 : i32
        %dma_wait3A_665 = arith.constant 0 : i32
        %dma_wait3A_666 = tpu.memref_slice %arg6[%dma_wait3A_662, %dma_wait3A_664, %dma_wait3A_665] : memref<8x128x32xf32, #tpu.memory_space<vmem>> -> memref<1x128x32xf32, #tpu.memory_space<vmem>>
        %dma_wait3A_667 = tpu.memref_squeeze %dma_wait3A_666 : memref<1x128x32xf32, #tpu.memory_space<vmem>> -> memref<128x32xf32, #tpu.memory_space<vmem>>
        %dma_wait3A_668 = arith.constant 0 : i32
        %dma_wait3A_669 = tpu.memref_slice %arg4[%mul3A_661, %dma_wait3A_668] : memref<819200x32xf32, #tpu.memory_space<hbm>> -> memref<128x32xf32, #tpu.memory_space<hbm>>
        %dma_wait3A_670 = tpu.memref_slice %arg8[%dma_wait3A_663] : memref<8x!tpu.dma_semaphore, #tpu.memory_space<semaphore_mem>> -> memref<1x!tpu.dma_semaphore, #tpu.memory_space<semaphore_mem>>
        %dma_wait3A_671 = tpu.memref_squeeze %dma_wait3A_670 : memref<1x!tpu.dma_semaphore, #tpu.memory_space<semaphore_mem>> -> memref<!tpu.dma_semaphore, #tpu.memory_space<semaphore_mem>>
        %dma_wait3A_672 = arith.constant 0 : i32
        %dma_wait3A_673 = tpu.memref_slice %arg4[%mul3A_661, %dma_wait3A_672] : memref<819200x32xf32, #tpu.memory_space<hbm>> -> memref<128x32xf32, #tpu.memory_space<hbm>>
        %dma_wait3A_674 = arith.constant 0 : i32
        %dma_wait3A_675 = arith.constant 0 : i32
        %dma_wait3A_676 = tpu.memref_slice %arg6[%dma_wait3A_662, %dma_wait3A_674, %dma_wait3A_675] : memref<8x128x32xf32, #tpu.memory_space<vmem>> -> memref<1x128x32xf32, #tpu.memory_space<vmem>>
        %dma_wait3A_677 = tpu.memref_squeeze %dma_wait3A_676 : memref<1x128x32xf32, #tpu.memory_space<vmem>> -> memref<128x32xf32, #tpu.memory_space<vmem>>
        tpu.wait_dma2 semaphore(%dma_wait3A_671 : memref<!tpu.dma_semaphore, #tpu.memory_space<semaphore_mem>>) src(%dma_wait3A_677 : memref<128x32xf32, #tpu.memory_space<vmem>>) dst(%dma_wait3A_673 : memref<128x32xf32, #tpu.memory_space<hbm>>)
        %dma_start3A_678 = arith.constant 2 : i32
        %dma_start3A_679 = arith.constant 2 : i32
        %dma_start3A_680 = arith.constant 0 : i32
        %dma_start3A_681 = arith.constant 0 : i32
        %dma_start3A_682 = tpu.memref_slice %arg6[%dma_start3A_678, %dma_start3A_680, %dma_start3A_681] : memref<8x128x32xf32, #tpu.memory_space<vmem>> -> memref<1x128x32xf32, #tpu.memory_space<vmem>>
        %dma_start3A_683 = tpu.memref_squeeze %dma_start3A_682 : memref<1x128x32xf32, #tpu.memory_space<vmem>> -> memref<128x32xf32, #tpu.memory_space<vmem>>
        %dma_start3A_684 = arith.constant 0 : i32
        %dma_start3A_685 = tpu.memref_slice %arg5[%add3A_659, %dma_start3A_684] : memref<200x128xi32, #tpu.memory_space<vmem>> -> memref<1x128xi32, #tpu.memory_space<vmem>>
        %dma_start3A_686 = tpu.memref_squeeze %dma_start3A_685 : memref<1x128xi32, #tpu.memory_space<vmem>> -> memref<128xi32, #tpu.memory_space<vmem>>
        %dma_start3A_687 = arith.constant 0 : i32
        %dma_start3A_688 = arith.constant 0 : i32
        %dma_start3A_689 = tpu.memref_slice %arg2[%dma_start3A_687, %dma_start3A_688] : memref<1000000x32xf32, #tpu.memory_space<hbm>> -> memref<1000000x32xf32, #tpu.memory_space<hbm>>
        %dma_start3A_690 = tpu.memref_slice %arg7[%dma_start3A_679] : memref<8x!tpu.dma_semaphore, #tpu.memory_space<semaphore_mem>> -> memref<1x!tpu.dma_semaphore, #tpu.memory_space<semaphore_mem>>
        %dma_start3A_691 = tpu.memref_squeeze %dma_start3A_690 : memref<1x!tpu.dma_semaphore, #tpu.memory_space<semaphore_mem>> -> memref<!tpu.dma_semaphore, #tpu.memory_space<semaphore_mem>>
        tpu.enqueue_indirect_dma source(%dma_start3A_689 : memref<1000000x32xf32, #tpu.memory_space<hbm>>) target(%dma_start3A_683 : memref<128x32xf32, #tpu.memory_space<vmem>>) offsets(%dma_start3A_686 : memref<128xi32, #tpu.memory_space<vmem>>) semaphore(%dma_start3A_691 : memref<!tpu.dma_semaphore, #tpu.memory_space<semaphore_mem>>)
        %add3A_692 = arith.constant 1 : i32
        %add3A_693 = arith.addi %scan3A_269, %add3A_692 : i32
        %mul3A_694 = arith.constant 8 : i32
        %mul3A_695 = arith.muli %add3A_693, %mul3A_694 : i32
        %add3A_696 = arith.constant 3 : i32
        %add3A_697 = arith.addi %mul3A_695, %add3A_696 : i32
        %mul3A_698 = arith.constant 128 : i32
        %mul3A_699 = arith.muli %mul3A_2, %mul3A_698 : i32
        %dma_wait3A_700 = arith.constant 3 : i32
        %dma_wait3A_701 = arith.constant 3 : i32
        %dma_wait3A_702 = arith.constant 0 : i32
        %dma_wait3A_703 = arith.constant 0 : i32
        %dma_wait3A_704 = tpu.memref_slice %arg6[%dma_wait3A_700, %dma_wait3A_702, %dma_wait3A_703] : memref<8x128x32xf32, #tpu.memory_space<vmem>> -> memref<1x128x32xf32, #tpu.memory_space<vmem>>
        %dma_wait3A_705 = tpu.memref_squeeze %dma_wait3A_704 : memref<1x128x32xf32, #tpu.memory_space<vmem>> -> memref<128x32xf32, #tpu.memory_space<vmem>>
        %dma_wait3A_706 = arith.constant 0 : i32
        %dma_wait3A_707 = tpu.memref_slice %arg4[%mul3A_699, %dma_wait3A_706] : memref<819200x32xf32, #tpu.memory_space<hbm>> -> memref<128x32xf32, #tpu.memory_space<hbm>>
        %dma_wait3A_708 = tpu.memref_slice %arg8[%dma_wait3A_701] : memref<8x!tpu.dma_semaphore, #tpu.memory_space<semaphore_mem>> -> memref<1x!tpu.dma_semaphore, #tpu.memory_space<semaphore_mem>>
        %dma_wait3A_709 = tpu.memref_squeeze %dma_wait3A_708 : memref<1x!tpu.dma_semaphore, #tpu.memory_space<semaphore_mem>> -> memref<!tpu.dma_semaphore, #tpu.memory_space<semaphore_mem>>
        %dma_wait3A_710 = arith.constant 0 : i32
        %dma_wait3A_711 = tpu.memref_slice %arg4[%mul3A_699, %dma_wait3A_710] : memref<819200x32xf32, #tpu.memory_space<hbm>> -> memref<128x32xf32, #tpu.memory_space<hbm>>
        %dma_wait3A_712 = arith.constant 0 : i32
        %dma_wait3A_713 = arith.constant 0 : i32
        %dma_wait3A_714 = tpu.memref_slice %arg6[%dma_wait3A_700, %dma_wait3A_712, %dma_wait3A_713] : memref<8x128x32xf32, #tpu.memory_space<vmem>> -> memref<1x128x32xf32, #tpu.memory_space<vmem>>
        %dma_wait3A_715 = tpu.memref_squeeze %dma_wait3A_714 : memref<1x128x32xf32, #tpu.memory_space<vmem>> -> memref<128x32xf32, #tpu.memory_space<vmem>>
        tpu.wait_dma2 semaphore(%dma_wait3A_709 : memref<!tpu.dma_semaphore, #tpu.memory_space<semaphore_mem>>) src(%dma_wait3A_715 : memref<128x32xf32, #tpu.memory_space<vmem>>) dst(%dma_wait3A_711 : memref<128x32xf32, #tpu.memory_space<hbm>>)
        %dma_start3A_716 = arith.constant 3 : i32
        %dma_start3A_717 = arith.constant 3 : i32
        %dma_start3A_718 = arith.constant 0 : i32
        %dma_start3A_719 = arith.constant 0 : i32
        %dma_start3A_720 = tpu.memref_slice %arg6[%dma_start3A_716, %dma_start3A_718, %dma_start3A_719] : memref<8x128x32xf32, #tpu.memory_space<vmem>> -> memref<1x128x32xf32, #tpu.memory_space<vmem>>
        %dma_start3A_721 = tpu.memref_squeeze %dma_start3A_720 : memref<1x128x32xf32, #tpu.memory_space<vmem>> -> memref<128x32xf32, #tpu.memory_space<vmem>>
        %dma_start3A_722 = arith.constant 0 : i32
        %dma_start3A_723 = tpu.memref_slice %arg5[%add3A_697, %dma_start3A_722] : memref<200x128xi32, #tpu.memory_space<vmem>> -> memref<1x128xi32, #tpu.memory_space<vmem>>
        %dma_start3A_724 = tpu.memref_squeeze %dma_start3A_723 : memref<1x128xi32, #tpu.memory_space<vmem>> -> memref<128xi32, #tpu.memory_space<vmem>>
        %dma_start3A_725 = arith.constant 0 : i32
        %dma_start3A_726 = arith.constant 0 : i32
        %dma_start3A_727 = tpu.memref_slice %arg2[%dma_start3A_725, %dma_start3A_726] : memref<1000000x32xf32, #tpu.memory_space<hbm>> -> memref<1000000x32xf32, #tpu.memory_space<hbm>>
        %dma_start3A_728 = tpu.memref_slice %arg7[%dma_start3A_717] : memref<8x!tpu.dma_semaphore, #tpu.memory_space<semaphore_mem>> -> memref<1x!tpu.dma_semaphore, #tpu.memory_space<semaphore_mem>>
        %dma_start3A_729 = tpu.memref_squeeze %dma_start3A_728 : memref<1x!tpu.dma_semaphore, #tpu.memory_space<semaphore_mem>> -> memref<!tpu.dma_semaphore, #tpu.memory_space<semaphore_mem>>
        tpu.enqueue_indirect_dma source(%dma_start3A_727 : memref<1000000x32xf32, #tpu.memory_space<hbm>>) target(%dma_start3A_721 : memref<128x32xf32, #tpu.memory_space<vmem>>) offsets(%dma_start3A_724 : memref<128xi32, #tpu.memory_space<vmem>>) semaphore(%dma_start3A_729 : memref<!tpu.dma_semaphore, #tpu.memory_space<semaphore_mem>>)
        %add3A_730 = arith.constant 1 : i32
        %add3A_731 = arith.addi %scan3A_269, %add3A_730 : i32
        %mul3A_732 = arith.constant 8 : i32
        %mul3A_733 = arith.muli %add3A_731, %mul3A_732 : i32
        %add3A_734 = arith.constant 4 : i32
        %add3A_735 = arith.addi %mul3A_733, %add3A_734 : i32
        %mul3A_736 = arith.constant 128 : i32
        %mul3A_737 = arith.muli %mul3A_2, %mul3A_736 : i32
        %dma_wait3A_738 = arith.constant 4 : i32
        %dma_wait3A_739 = arith.constant 4 : i32
        %dma_wait3A_740 = arith.constant 0 : i32
        %dma_wait3A_741 = arith.constant 0 : i32
        %dma_wait3A_742 = tpu.memref_slice %arg6[%dma_wait3A_738, %dma_wait3A_740, %dma_wait3A_741] : memref<8x128x32xf32, #tpu.memory_space<vmem>> -> memref<1x128x32xf32, #tpu.memory_space<vmem>>
        %dma_wait3A_743 = tpu.memref_squeeze %dma_wait3A_742 : memref<1x128x32xf32, #tpu.memory_space<vmem>> -> memref<128x32xf32, #tpu.memory_space<vmem>>
        %dma_wait3A_744 = arith.constant 0 : i32
        %dma_wait3A_745 = tpu.memref_slice %arg4[%mul3A_737, %dma_wait3A_744] : memref<819200x32xf32, #tpu.memory_space<hbm>> -> memref<128x32xf32, #tpu.memory_space<hbm>>
        %dma_wait3A_746 = tpu.memref_slice %arg8[%dma_wait3A_739] : memref<8x!tpu.dma_semaphore, #tpu.memory_space<semaphore_mem>> -> memref<1x!tpu.dma_semaphore, #tpu.memory_space<semaphore_mem>>
        %dma_wait3A_747 = tpu.memref_squeeze %dma_wait3A_746 : memref<1x!tpu.dma_semaphore, #tpu.memory_space<semaphore_mem>> -> memref<!tpu.dma_semaphore, #tpu.memory_space<semaphore_mem>>
        %dma_wait3A_748 = arith.constant 0 : i32
        %dma_wait3A_749 = tpu.memref_slice %arg4[%mul3A_737, %dma_wait3A_748] : memref<819200x32xf32, #tpu.memory_space<hbm>> -> memref<128x32xf32, #tpu.memory_space<hbm>>
        %dma_wait3A_750 = arith.constant 0 : i32
        %dma_wait3A_751 = arith.constant 0 : i32
        %dma_wait3A_752 = tpu.memref_slice %arg6[%dma_wait3A_738, %dma_wait3A_750, %dma_wait3A_751] : memref<8x128x32xf32, #tpu.memory_space<vmem>> -> memref<1x128x32xf32, #tpu.memory_space<vmem>>
        %dma_wait3A_753 = tpu.memref_squeeze %dma_wait3A_752 : memref<1x128x32xf32, #tpu.memory_space<vmem>> -> memref<128x32xf32, #tpu.memory_space<vmem>>
        tpu.wait_dma2 semaphore(%dma_wait3A_747 : memref<!tpu.dma_semaphore, #tpu.memory_space<semaphore_mem>>) src(%dma_wait3A_753 : memref<128x32xf32, #tpu.memory_space<vmem>>) dst(%dma_wait3A_749 : memref<128x32xf32, #tpu.memory_space<hbm>>)
        %dma_start3A_754 = arith.constant 4 : i32
        %dma_start3A_755 = arith.constant 4 : i32
        %dma_start3A_756 = arith.constant 0 : i32
        %dma_start3A_757 = arith.constant 0 : i32
        %dma_start3A_758 = tpu.memref_slice %arg6[%dma_start3A_754, %dma_start3A_756, %dma_start3A_757] : memref<8x128x32xf32, #tpu.memory_space<vmem>> -> memref<1x128x32xf32, #tpu.memory_space<vmem>>
        %dma_start3A_759 = tpu.memref_squeeze %dma_start3A_758 : memref<1x128x32xf32, #tpu.memory_space<vmem>> -> memref<128x32xf32, #tpu.memory_space<vmem>>
        %dma_start3A_760 = arith.constant 0 : i32
        %dma_start3A_761 = tpu.memref_slice %arg5[%add3A_735, %dma_start3A_760] : memref<200x128xi32, #tpu.memory_space<vmem>> -> memref<1x128xi32, #tpu.memory_space<vmem>>
        %dma_start3A_762 = tpu.memref_squeeze %dma_start3A_761 : memref<1x128xi32, #tpu.memory_space<vmem>> -> memref<128xi32, #tpu.memory_space<vmem>>
        %dma_start3A_763 = arith.constant 0 : i32
        %dma_start3A_764 = arith.constant 0 : i32
        %dma_start3A_765 = tpu.memref_slice %arg2[%dma_start3A_763, %dma_start3A_764] : memref<1000000x32xf32, #tpu.memory_space<hbm>> -> memref<1000000x32xf32, #tpu.memory_space<hbm>>
        %dma_start3A_766 = tpu.memref_slice %arg7[%dma_start3A_755] : memref<8x!tpu.dma_semaphore, #tpu.memory_space<semaphore_mem>> -> memref<1x!tpu.dma_semaphore, #tpu.memory_space<semaphore_mem>>
        %dma_start3A_767 = tpu.memref_squeeze %dma_start3A_766 : memref<1x!tpu.dma_semaphore, #tpu.memory_space<semaphore_mem>> -> memref<!tpu.dma_semaphore, #tpu.memory_space<semaphore_mem>>
        tpu.enqueue_indirect_dma source(%dma_start3A_765 : memref<1000000x32xf32, #tpu.memory_space<hbm>>) target(%dma_start3A_759 : memref<128x32xf32, #tpu.memory_space<vmem>>) offsets(%dma_start3A_762 : memref<128xi32, #tpu.memory_space<vmem>>) semaphore(%dma_start3A_767 : memref<!tpu.dma_semaphore, #tpu.memory_space<semaphore_mem>>)
        %add3A_768 = arith.constant 1 : i32
        %add3A_769 = arith.addi %scan3A_269, %add3A_768 : i32
        %mul3A_770 = arith.constant 8 : i32
        %mul3A_771 = arith.muli %add3A_769, %mul3A_770 : i32
        %add3A_772 = arith.constant 5 : i32
        %add3A_773 = arith.addi %mul3A_771, %add3A_772 : i32
        %mul3A_774 = arith.constant 128 : i32
        %mul3A_775 = arith.muli %mul3A_2, %mul3A_774 : i32
        %dma_wait3A_776 = arith.constant 5 : i32
        %dma_wait3A_777 = arith.constant 5 : i32
        %dma_wait3A_778 = arith.constant 0 : i32
        %dma_wait3A_779 = arith.constant 0 : i32
        %dma_wait3A_780 = tpu.memref_slice %arg6[%dma_wait3A_776, %dma_wait3A_778, %dma_wait3A_779] : memref<8x128x32xf32, #tpu.memory_space<vmem>> -> memref<1x128x32xf32, #tpu.memory_space<vmem>>
        %dma_wait3A_781 = tpu.memref_squeeze %dma_wait3A_780 : memref<1x128x32xf32, #tpu.memory_space<vmem>> -> memref<128x32xf32, #tpu.memory_space<vmem>>
        %dma_wait3A_782 = arith.constant 0 : i32
        %dma_wait3A_783 = tpu.memref_slice %arg4[%mul3A_775, %dma_wait3A_782] : memref<819200x32xf32, #tpu.memory_space<hbm>> -> memref<128x32xf32, #tpu.memory_space<hbm>>
        %dma_wait3A_784 = tpu.memref_slice %arg8[%dma_wait3A_777] : memref<8x!tpu.dma_semaphore, #tpu.memory_space<semaphore_mem>> -> memref<1x!tpu.dma_semaphore, #tpu.memory_space<semaphore_mem>>
        %dma_wait3A_785 = tpu.memref_squeeze %dma_wait3A_784 : memref<1x!tpu.dma_semaphore, #tpu.memory_space<semaphore_mem>> -> memref<!tpu.dma_semaphore, #tpu.memory_space<semaphore_mem>>
        %dma_wait3A_786 = arith.constant 0 : i32
        %dma_wait3A_787 = tpu.memref_slice %arg4[%mul3A_775, %dma_wait3A_786] : memref<819200x32xf32, #tpu.memory_space<hbm>> -> memref<128x32xf32, #tpu.memory_space<hbm>>
        %dma_wait3A_788 = arith.constant 0 : i32
        %dma_wait3A_789 = arith.constant 0 : i32
        %dma_wait3A_790 = tpu.memref_slice %arg6[%dma_wait3A_776, %dma_wait3A_788, %dma_wait3A_789] : memref<8x128x32xf32, #tpu.memory_space<vmem>> -> memref<1x128x32xf32, #tpu.memory_space<vmem>>
        %dma_wait3A_791 = tpu.memref_squeeze %dma_wait3A_790 : memref<1x128x32xf32, #tpu.memory_space<vmem>> -> memref<128x32xf32, #tpu.memory_space<vmem>>
        tpu.wait_dma2 semaphore(%dma_wait3A_785 : memref<!tpu.dma_semaphore, #tpu.memory_space<semaphore_mem>>) src(%dma_wait3A_791 : memref<128x32xf32, #tpu.memory_space<vmem>>) dst(%dma_wait3A_787 : memref<128x32xf32, #tpu.memory_space<hbm>>)
        %dma_start3A_792 = arith.constant 5 : i32
        %dma_start3A_793 = arith.constant 5 : i32
        %dma_start3A_794 = arith.constant 0 : i32
        %dma_start3A_795 = arith.constant 0 : i32
        %dma_start3A_796 = tpu.memref_slice %arg6[%dma_start3A_792, %dma_start3A_794, %dma_start3A_795] : memref<8x128x32xf32, #tpu.memory_space<vmem>> -> memref<1x128x32xf32, #tpu.memory_space<vmem>>
        %dma_start3A_797 = tpu.memref_squeeze %dma_start3A_796 : memref<1x128x32xf32, #tpu.memory_space<vmem>> -> memref<128x32xf32, #tpu.memory_space<vmem>>
        %dma_start3A_798 = arith.constant 0 : i32
        %dma_start3A_799 = tpu.memref_slice %arg5[%add3A_773, %dma_start3A_798] : memref<200x128xi32, #tpu.memory_space<vmem>> -> memref<1x128xi32, #tpu.memory_space<vmem>>
        %dma_start3A_800 = tpu.memref_squeeze %dma_start3A_799 : memref<1x128xi32, #tpu.memory_space<vmem>> -> memref<128xi32, #tpu.memory_space<vmem>>
        %dma_start3A_801 = arith.constant 0 : i32
        %dma_start3A_802 = arith.constant 0 : i32
        %dma_start3A_803 = tpu.memref_slice %arg2[%dma_start3A_801, %dma_start3A_802] : memref<1000000x32xf32, #tpu.memory_space<hbm>> -> memref<1000000x32xf32, #tpu.memory_space<hbm>>
        %dma_start3A_804 = tpu.memref_slice %arg7[%dma_start3A_793] : memref<8x!tpu.dma_semaphore, #tpu.memory_space<semaphore_mem>> -> memref<1x!tpu.dma_semaphore, #tpu.memory_space<semaphore_mem>>
        %dma_start3A_805 = tpu.memref_squeeze %dma_start3A_804 : memref<1x!tpu.dma_semaphore, #tpu.memory_space<semaphore_mem>> -> memref<!tpu.dma_semaphore, #tpu.memory_space<semaphore_mem>>
        tpu.enqueue_indirect_dma source(%dma_start3A_803 : memref<1000000x32xf32, #tpu.memory_space<hbm>>) target(%dma_start3A_797 : memref<128x32xf32, #tpu.memory_space<vmem>>) offsets(%dma_start3A_800 : memref<128xi32, #tpu.memory_space<vmem>>) semaphore(%dma_start3A_805 : memref<!tpu.dma_semaphore, #tpu.memory_space<semaphore_mem>>)
        %add3A_806 = arith.constant 1 : i32
        %add3A_807 = arith.addi %scan3A_269, %add3A_806 : i32
        %mul3A_808 = arith.constant 8 : i32
        %mul3A_809 = arith.muli %add3A_807, %mul3A_808 : i32
        %add3A_810 = arith.constant 6 : i32
        %add3A_811 = arith.addi %mul3A_809, %add3A_810 : i32
        %mul3A_812 = arith.constant 128 : i32
        %mul3A_813 = arith.muli %mul3A_2, %mul3A_812 : i32
        %dma_wait3A_814 = arith.constant 6 : i32
        %dma_wait3A_815 = arith.constant 6 : i32
        %dma_wait3A_816 = arith.constant 0 : i32
        %dma_wait3A_817 = arith.constant 0 : i32
        %dma_wait3A_818 = tpu.memref_slice %arg6[%dma_wait3A_814, %dma_wait3A_816, %dma_wait3A_817] : memref<8x128x32xf32, #tpu.memory_space<vmem>> -> memref<1x128x32xf32, #tpu.memory_space<vmem>>
        %dma_wait3A_819 = tpu.memref_squeeze %dma_wait3A_818 : memref<1x128x32xf32, #tpu.memory_space<vmem>> -> memref<128x32xf32, #tpu.memory_space<vmem>>
        %dma_wait3A_820 = arith.constant 0 : i32
        %dma_wait3A_821 = tpu.memref_slice %arg4[%mul3A_813, %dma_wait3A_820] : memref<819200x32xf32, #tpu.memory_space<hbm>> -> memref<128x32xf32, #tpu.memory_space<hbm>>
        %dma_wait3A_822 = tpu.memref_slice %arg8[%dma_wait3A_815] : memref<8x!tpu.dma_semaphore, #tpu.memory_space<semaphore_mem>> -> memref<1x!tpu.dma_semaphore, #tpu.memory_space<semaphore_mem>>
        %dma_wait3A_823 = tpu.memref_squeeze %dma_wait3A_822 : memref<1x!tpu.dma_semaphore, #tpu.memory_space<semaphore_mem>> -> memref<!tpu.dma_semaphore, #tpu.memory_space<semaphore_mem>>
        %dma_wait3A_824 = arith.constant 0 : i32
        %dma_wait3A_825 = tpu.memref_slice %arg4[%mul3A_813, %dma_wait3A_824] : memref<819200x32xf32, #tpu.memory_space<hbm>> -> memref<128x32xf32, #tpu.memory_space<hbm>>
        %dma_wait3A_826 = arith.constant 0 : i32
        %dma_wait3A_827 = arith.constant 0 : i32
        %dma_wait3A_828 = tpu.memref_slice %arg6[%dma_wait3A_814, %dma_wait3A_826, %dma_wait3A_827] : memref<8x128x32xf32, #tpu.memory_space<vmem>> -> memref<1x128x32xf32, #tpu.memory_space<vmem>>
        %dma_wait3A_829 = tpu.memref_squeeze %dma_wait3A_828 : memref<1x128x32xf32, #tpu.memory_space<vmem>> -> memref<128x32xf32, #tpu.memory_space<vmem>>
        tpu.wait_dma2 semaphore(%dma_wait3A_823 : memref<!tpu.dma_semaphore, #tpu.memory_space<semaphore_mem>>) src(%dma_wait3A_829 : memref<128x32xf32, #tpu.memory_space<vmem>>) dst(%dma_wait3A_825 : memref<128x32xf32, #tpu.memory_space<hbm>>)
        %dma_start3A_830 = arith.constant 6 : i32
        %dma_start3A_831 = arith.constant 6 : i32
        %dma_start3A_832 = arith.constant 0 : i32
        %dma_start3A_833 = arith.constant 0 : i32
        %dma_start3A_834 = tpu.memref_slice %arg6[%dma_start3A_830, %dma_start3A_832, %dma_start3A_833] : memref<8x128x32xf32, #tpu.memory_space<vmem>> -> memref<1x128x32xf32, #tpu.memory_space<vmem>>
        %dma_start3A_835 = tpu.memref_squeeze %dma_start3A_834 : memref<1x128x32xf32, #tpu.memory_space<vmem>> -> memref<128x32xf32, #tpu.memory_space<vmem>>
        %dma_start3A_836 = arith.constant 0 : i32
        %dma_start3A_837 = tpu.memref_slice %arg5[%add3A_811, %dma_start3A_836] : memref<200x128xi32, #tpu.memory_space<vmem>> -> memref<1x128xi32, #tpu.memory_space<vmem>>
        %dma_start3A_838 = tpu.memref_squeeze %dma_start3A_837 : memref<1x128xi32, #tpu.memory_space<vmem>> -> memref<128xi32, #tpu.memory_space<vmem>>
        %dma_start3A_839 = arith.constant 0 : i32
        %dma_start3A_840 = arith.constant 0 : i32
        %dma_start3A_841 = tpu.memref_slice %arg2[%dma_start3A_839, %dma_start3A_840] : memref<1000000x32xf32, #tpu.memory_space<hbm>> -> memref<1000000x32xf32, #tpu.memory_space<hbm>>
        %dma_start3A_842 = tpu.memref_slice %arg7[%dma_start3A_831] : memref<8x!tpu.dma_semaphore, #tpu.memory_space<semaphore_mem>> -> memref<1x!tpu.dma_semaphore, #tpu.memory_space<semaphore_mem>>
        %dma_start3A_843 = tpu.memref_squeeze %dma_start3A_842 : memref<1x!tpu.dma_semaphore, #tpu.memory_space<semaphore_mem>> -> memref<!tpu.dma_semaphore, #tpu.memory_space<semaphore_mem>>
        tpu.enqueue_indirect_dma source(%dma_start3A_841 : memref<1000000x32xf32, #tpu.memory_space<hbm>>) target(%dma_start3A_835 : memref<128x32xf32, #tpu.memory_space<vmem>>) offsets(%dma_start3A_838 : memref<128xi32, #tpu.memory_space<vmem>>) semaphore(%dma_start3A_843 : memref<!tpu.dma_semaphore, #tpu.memory_space<semaphore_mem>>)
        %add3A_844 = arith.constant 1 : i32
        %add3A_845 = arith.addi %scan3A_269, %add3A_844 : i32
        %mul3A_846 = arith.constant 8 : i32
        %mul3A_847 = arith.muli %add3A_845, %mul3A_846 : i32
        %add3A_848 = arith.constant 7 : i32
        %add3A_849 = arith.addi %mul3A_847, %add3A_848 : i32
        %mul3A_850 = arith.constant 128 : i32
        %mul3A_851 = arith.muli %mul3A_2, %mul3A_850 : i32
        %dma_wait3A_852 = arith.constant 7 : i32
        %dma_wait3A_853 = arith.constant 7 : i32
        %dma_wait3A_854 = arith.constant 0 : i32
        %dma_wait3A_855 = arith.constant 0 : i32
        %dma_wait3A_856 = tpu.memref_slice %arg6[%dma_wait3A_852, %dma_wait3A_854, %dma_wait3A_855] : memref<8x128x32xf32, #tpu.memory_space<vmem>> -> memref<1x128x32xf32, #tpu.memory_space<vmem>>
        %dma_wait3A_857 = tpu.memref_squeeze %dma_wait3A_856 : memref<1x128x32xf32, #tpu.memory_space<vmem>> -> memref<128x32xf32, #tpu.memory_space<vmem>>
        %dma_wait3A_858 = arith.constant 0 : i32
        %dma_wait3A_859 = tpu.memref_slice %arg4[%mul3A_851, %dma_wait3A_858] : memref<819200x32xf32, #tpu.memory_space<hbm>> -> memref<128x32xf32, #tpu.memory_space<hbm>>
        %dma_wait3A_860 = tpu.memref_slice %arg8[%dma_wait3A_853] : memref<8x!tpu.dma_semaphore, #tpu.memory_space<semaphore_mem>> -> memref<1x!tpu.dma_semaphore, #tpu.memory_space<semaphore_mem>>
        %dma_wait3A_861 = tpu.memref_squeeze %dma_wait3A_860 : memref<1x!tpu.dma_semaphore, #tpu.memory_space<semaphore_mem>> -> memref<!tpu.dma_semaphore, #tpu.memory_space<semaphore_mem>>
        %dma_wait3A_862 = arith.constant 0 : i32
        %dma_wait3A_863 = tpu.memref_slice %arg4[%mul3A_851, %dma_wait3A_862] : memref<819200x32xf32, #tpu.memory_space<hbm>> -> memref<128x32xf32, #tpu.memory_space<hbm>>
        %dma_wait3A_864 = arith.constant 0 : i32
        %dma_wait3A_865 = arith.constant 0 : i32
        %dma_wait3A_866 = tpu.memref_slice %arg6[%dma_wait3A_852, %dma_wait3A_864, %dma_wait3A_865] : memref<8x128x32xf32, #tpu.memory_space<vmem>> -> memref<1x128x32xf32, #tpu.memory_space<vmem>>
        %dma_wait3A_867 = tpu.memref_squeeze %dma_wait3A_866 : memref<1x128x32xf32, #tpu.memory_space<vmem>> -> memref<128x32xf32, #tpu.memory_space<vmem>>
        tpu.wait_dma2 semaphore(%dma_wait3A_861 : memref<!tpu.dma_semaphore, #tpu.memory_space<semaphore_mem>>) src(%dma_wait3A_867 : memref<128x32xf32, #tpu.memory_space<vmem>>) dst(%dma_wait3A_863 : memref<128x32xf32, #tpu.memory_space<hbm>>)
        %dma_start3A_868 = arith.constant 7 : i32
        %dma_start3A_869 = arith.constant 7 : i32
        %dma_start3A_870 = arith.constant 0 : i32
        %dma_start3A_871 = arith.constant 0 : i32
        %dma_start3A_872 = tpu.memref_slice %arg6[%dma_start3A_868, %dma_start3A_870, %dma_start3A_871] : memref<8x128x32xf32, #tpu.memory_space<vmem>> -> memref<1x128x32xf32, #tpu.memory_space<vmem>>
        %dma_start3A_873 = tpu.memref_squeeze %dma_start3A_872 : memref<1x128x32xf32, #tpu.memory_space<vmem>> -> memref<128x32xf32, #tpu.memory_space<vmem>>
        %dma_start3A_874 = arith.constant 0 : i32
        %dma_start3A_875 = tpu.memref_slice %arg5[%add3A_849, %dma_start3A_874] : memref<200x128xi32, #tpu.memory_space<vmem>> -> memref<1x128xi32, #tpu.memory_space<vmem>>
        %dma_start3A_876 = tpu.memref_squeeze %dma_start3A_875 : memref<1x128xi32, #tpu.memory_space<vmem>> -> memref<128xi32, #tpu.memory_space<vmem>>
        %dma_start3A_877 = arith.constant 0 : i32
        %dma_start3A_878 = arith.constant 0 : i32
        %dma_start3A_879 = tpu.memref_slice %arg2[%dma_start3A_877, %dma_start3A_878] : memref<1000000x32xf32, #tpu.memory_space<hbm>> -> memref<1000000x32xf32, #tpu.memory_space<hbm>>
        %dma_start3A_880 = tpu.memref_slice %arg7[%dma_start3A_869] : memref<8x!tpu.dma_semaphore, #tpu.memory_space<semaphore_mem>> -> memref<1x!tpu.dma_semaphore, #tpu.memory_space<semaphore_mem>>
        %dma_start3A_881 = tpu.memref_squeeze %dma_start3A_880 : memref<1x!tpu.dma_semaphore, #tpu.memory_space<semaphore_mem>> -> memref<!tpu.dma_semaphore, #tpu.memory_space<semaphore_mem>>
        tpu.enqueue_indirect_dma source(%dma_start3A_879 : memref<1000000x32xf32, #tpu.memory_space<hbm>>) target(%dma_start3A_873 : memref<128x32xf32, #tpu.memory_space<vmem>>) offsets(%dma_start3A_876 : memref<128xi32, #tpu.memory_space<vmem>>) semaphore(%dma_start3A_881 : memref<!tpu.dma_semaphore, #tpu.memory_space<semaphore_mem>>)
      } else {
      }
    }
    %scan3A_125 = arith.constant 25 : i32
    %mul3A_126 = arith.constant 128 : i32
    %mul3A_127 = arith.muli %mul3A_2, %mul3A_126 : i32
    %dma_wait3A = arith.constant 0 : i32
    %dma_wait3A_128 = arith.constant 0 : i32
    %dma_wait3A_129 = arith.constant 0 : i32
    %dma_wait3A_130 = arith.constant 0 : i32
    %dma_wait3A_131 = tpu.memref_slice %arg6[%dma_wait3A, %dma_wait3A_129, %dma_wait3A_130] : memref<8x128x32xf32, #tpu.memory_space<vmem>> -> memref<1x128x32xf32, #tpu.memory_space<vmem>>
    %dma_wait3A_132 = tpu.memref_squeeze %dma_wait3A_131 : memref<1x128x32xf32, #tpu.memory_space<vmem>> -> memref<128x32xf32, #tpu.memory_space<vmem>>
    %dma_wait3A_133 = arith.constant 0 : i32
    %dma_wait3A_134 = tpu.memref_slice %arg4[%mul3A_127, %dma_wait3A_133] : memref<819200x32xf32, #tpu.memory_space<hbm>> -> memref<128x32xf32, #tpu.memory_space<hbm>>
    %dma_wait3A_135 = tpu.memref_slice %arg8[%dma_wait3A_128] : memref<8x!tpu.dma_semaphore, #tpu.memory_space<semaphore_mem>> -> memref<1x!tpu.dma_semaphore, #tpu.memory_space<semaphore_mem>>
    %dma_wait3A_136 = tpu.memref_squeeze %dma_wait3A_135 : memref<1x!tpu.dma_semaphore, #tpu.memory_space<semaphore_mem>> -> memref<!tpu.dma_semaphore, #tpu.memory_space<semaphore_mem>>
    %dma_wait3A_137 = arith.constant 0 : i32
    %dma_wait3A_138 = tpu.memref_slice %arg4[%mul3A_127, %dma_wait3A_137] : memref<819200x32xf32, #tpu.memory_space<hbm>> -> memref<128x32xf32, #tpu.memory_space<hbm>>
    %dma_wait3A_139 = arith.constant 0 : i32
    %dma_wait3A_140 = arith.constant 0 : i32
    %dma_wait3A_141 = tpu.memref_slice %arg6[%dma_wait3A, %dma_wait3A_139, %dma_wait3A_140] : memref<8x128x32xf32, #tpu.memory_space<vmem>> -> memref<1x128x32xf32, #tpu.memory_space<vmem>>
    %dma_wait3A_142 = tpu.memref_squeeze %dma_wait3A_141 : memref<1x128x32xf32, #tpu.memory_space<vmem>> -> memref<128x32xf32, #tpu.memory_space<vmem>>
    tpu.wait_dma2 semaphore(%dma_wait3A_136 : memref<!tpu.dma_semaphore, #tpu.memory_space<semaphore_mem>>) src(%dma_wait3A_142 : memref<128x32xf32, #tpu.memory_space<vmem>>) dst(%dma_wait3A_138 : memref<128x32xf32, #tpu.memory_space<hbm>>)
    %mul3A_143 = arith.constant 128 : i32
    %mul3A_144 = arith.muli %mul3A_2, %mul3A_143 : i32
    %dma_wait3A_145 = arith.constant 1 : i32
    %dma_wait3A_146 = arith.constant 1 : i32
    %dma_wait3A_147 = arith.constant 0 : i32
    %dma_wait3A_148 = arith.constant 0 : i32
    %dma_wait3A_149 = tpu.memref_slice %arg6[%dma_wait3A_145, %dma_wait3A_147, %dma_wait3A_148] : memref<8x128x32xf32, #tpu.memory_space<vmem>> -> memref<1x128x32xf32, #tpu.memory_space<vmem>>
    %dma_wait3A_150 = tpu.memref_squeeze %dma_wait3A_149 : memref<1x128x32xf32, #tpu.memory_space<vmem>> -> memref<128x32xf32, #tpu.memory_space<vmem>>
    %dma_wait3A_151 = arith.constant 0 : i32
    %dma_wait3A_152 = tpu.memref_slice %arg4[%mul3A_144, %dma_wait3A_151] : memref<819200x32xf32, #tpu.memory_space<hbm>> -> memref<128x32xf32, #tpu.memory_space<hbm>>
    %dma_wait3A_153 = tpu.memref_slice %arg8[%dma_wait3A_146] : memref<8x!tpu.dma_semaphore, #tpu.memory_space<semaphore_mem>> -> memref<1x!tpu.dma_semaphore, #tpu.memory_space<semaphore_mem>>
    %dma_wait3A_154 = tpu.memref_squeeze %dma_wait3A_153 : memref<1x!tpu.dma_semaphore, #tpu.memory_space<semaphore_mem>> -> memref<!tpu.dma_semaphore, #tpu.memory_space<semaphore_mem>>
    %dma_wait3A_155 = arith.constant 0 : i32
    %dma_wait3A_156 = tpu.memref_slice %arg4[%mul3A_144, %dma_wait3A_155] : memref<819200x32xf32, #tpu.memory_space<hbm>> -> memref<128x32xf32, #tpu.memory_space<hbm>>
    %dma_wait3A_157 = arith.constant 0 : i32
    %dma_wait3A_158 = arith.constant 0 : i32
    %dma_wait3A_159 = tpu.memref_slice %arg6[%dma_wait3A_145, %dma_wait3A_157, %dma_wait3A_158] : memref<8x128x32xf32, #tpu.memory_space<vmem>> -> memref<1x128x32xf32, #tpu.memory_space<vmem>>
    %dma_wait3A_160 = tpu.memref_squeeze %dma_wait3A_159 : memref<1x128x32xf32, #tpu.memory_space<vmem>> -> memref<128x32xf32, #tpu.memory_space<vmem>>
    tpu.wait_dma2 semaphore(%dma_wait3A_154 : memref<!tpu.dma_semaphore, #tpu.memory_space<semaphore_mem>>) src(%dma_wait3A_160 : memref<128x32xf32, #tpu.memory_space<vmem>>) dst(%dma_wait3A_156 : memref<128x32xf32, #tpu.memory_space<hbm>>)
    %mul3A_161 = arith.constant 128 : i32
    %mul3A_162 = arith.muli %mul3A_2, %mul3A_161 : i32
    %dma_wait3A_163 = arith.constant 2 : i32
    %dma_wait3A_164 = arith.constant 2 : i32
    %dma_wait3A_165 = arith.constant 0 : i32
    %dma_wait3A_166 = arith.constant 0 : i32
    %dma_wait3A_167 = tpu.memref_slice %arg6[%dma_wait3A_163, %dma_wait3A_165, %dma_wait3A_166] : memref<8x128x32xf32, #tpu.memory_space<vmem>> -> memref<1x128x32xf32, #tpu.memory_space<vmem>>
    %dma_wait3A_168 = tpu.memref_squeeze %dma_wait3A_167 : memref<1x128x32xf32, #tpu.memory_space<vmem>> -> memref<128x32xf32, #tpu.memory_space<vmem>>
    %dma_wait3A_169 = arith.constant 0 : i32
    %dma_wait3A_170 = tpu.memref_slice %arg4[%mul3A_162, %dma_wait3A_169] : memref<819200x32xf32, #tpu.memory_space<hbm>> -> memref<128x32xf32, #tpu.memory_space<hbm>>
    %dma_wait3A_171 = tpu.memref_slice %arg8[%dma_wait3A_164] : memref<8x!tpu.dma_semaphore, #tpu.memory_space<semaphore_mem>> -> memref<1x!tpu.dma_semaphore, #tpu.memory_space<semaphore_mem>>
    %dma_wait3A_172 = tpu.memref_squeeze %dma_wait3A_171 : memref<1x!tpu.dma_semaphore, #tpu.memory_space<semaphore_mem>> -> memref<!tpu.dma_semaphore, #tpu.memory_space<semaphore_mem>>
    %dma_wait3A_173 = arith.constant 0 : i32
    %dma_wait3A_174 = tpu.memref_slice %arg4[%mul3A_162, %dma_wait3A_173] : memref<819200x32xf32, #tpu.memory_space<hbm>> -> memref<128x32xf32, #tpu.memory_space<hbm>>
    %dma_wait3A_175 = arith.constant 0 : i32
    %dma_wait3A_176 = arith.constant 0 : i32
    %dma_wait3A_177 = tpu.memref_slice %arg6[%dma_wait3A_163, %dma_wait3A_175, %dma_wait3A_176] : memref<8x128x32xf32, #tpu.memory_space<vmem>> -> memref<1x128x32xf32, #tpu.memory_space<vmem>>
    %dma_wait3A_178 = tpu.memref_squeeze %dma_wait3A_177 : memref<1x128x32xf32, #tpu.memory_space<vmem>> -> memref<128x32xf32, #tpu.memory_space<vmem>>
    tpu.wait_dma2 semaphore(%dma_wait3A_172 : memref<!tpu.dma_semaphore, #tpu.memory_space<semaphore_mem>>) src(%dma_wait3A_178 : memref<128x32xf32, #tpu.memory_space<vmem>>) dst(%dma_wait3A_174 : memref<128x32xf32, #tpu.memory_space<hbm>>)
    %mul3A_179 = arith.constant 128 : i32
    %mul3A_180 = arith.muli %mul3A_2, %mul3A_179 : i32
    %dma_wait3A_181 = arith.constant 3 : i32
    %dma_wait3A_182 = arith.constant 3 : i32
    %dma_wait3A_183 = arith.constant 0 : i32
    %dma_wait3A_184 = arith.constant 0 : i32
    %dma_wait3A_185 = tpu.memref_slice %arg6[%dma_wait3A_181, %dma_wait3A_183, %dma_wait3A_184] : memref<8x128x32xf32, #tpu.memory_space<vmem>> -> memref<1x128x32xf32, #tpu.memory_space<vmem>>
    %dma_wait3A_186 = tpu.memref_squeeze %dma_wait3A_185 : memref<1x128x32xf32, #tpu.memory_space<vmem>> -> memref<128x32xf32, #tpu.memory_space<vmem>>
    %dma_wait3A_187 = arith.constant 0 : i32
    %dma_wait3A_188 = tpu.memref_slice %arg4[%mul3A_180, %dma_wait3A_187] : memref<819200x32xf32, #tpu.memory_space<hbm>> -> memref<128x32xf32, #tpu.memory_space<hbm>>
    %dma_wait3A_189 = tpu.memref_slice %arg8[%dma_wait3A_182] : memref<8x!tpu.dma_semaphore, #tpu.memory_space<semaphore_mem>> -> memref<1x!tpu.dma_semaphore, #tpu.memory_space<semaphore_mem>>
    %dma_wait3A_190 = tpu.memref_squeeze %dma_wait3A_189 : memref<1x!tpu.dma_semaphore, #tpu.memory_space<semaphore_mem>> -> memref<!tpu.dma_semaphore, #tpu.memory_space<semaphore_mem>>
    %dma_wait3A_191 = arith.constant 0 : i32
    %dma_wait3A_192 = tpu.memref_slice %arg4[%mul3A_180, %dma_wait3A_191] : memref<819200x32xf32, #tpu.memory_space<hbm>> -> memref<128x32xf32, #tpu.memory_space<hbm>>
    %dma_wait3A_193 = arith.constant 0 : i32
    %dma_wait3A_194 = arith.constant 0 : i32
    %dma_wait3A_195 = tpu.memref_slice %arg6[%dma_wait3A_181, %dma_wait3A_193, %dma_wait3A_194] : memref<8x128x32xf32, #tpu.memory_space<vmem>> -> memref<1x128x32xf32, #tpu.memory_space<vmem>>
    %dma_wait3A_196 = tpu.memref_squeeze %dma_wait3A_195 : memref<1x128x32xf32, #tpu.memory_space<vmem>> -> memref<128x32xf32, #tpu.memory_space<vmem>>
    tpu.wait_dma2 semaphore(%dma_wait3A_190 : memref<!tpu.dma_semaphore, #tpu.memory_space<semaphore_mem>>) src(%dma_wait3A_196 : memref<128x32xf32, #tpu.memory_space<vmem>>) dst(%dma_wait3A_192 : memref<128x32xf32, #tpu.memory_space<hbm>>)
    %mul3A_197 = arith.constant 128 : i32
    %mul3A_198 = arith.muli %mul3A_2, %mul3A_197 : i32
    %dma_wait3A_199 = arith.constant 4 : i32
    %dma_wait3A_200 = arith.constant 4 : i32
    %dma_wait3A_201 = arith.constant 0 : i32
    %dma_wait3A_202 = arith.constant 0 : i32
    %dma_wait3A_203 = tpu.memref_slice %arg6[%dma_wait3A_199, %dma_wait3A_201, %dma_wait3A_202] : memref<8x128x32xf32, #tpu.memory_space<vmem>> -> memref<1x128x32xf32, #tpu.memory_space<vmem>>
    %dma_wait3A_204 = tpu.memref_squeeze %dma_wait3A_203 : memref<1x128x32xf32, #tpu.memory_space<vmem>> -> memref<128x32xf32, #tpu.memory_space<vmem>>
    %dma_wait3A_205 = arith.constant 0 : i32
    %dma_wait3A_206 = tpu.memref_slice %arg4[%mul3A_198, %dma_wait3A_205] : memref<819200x32xf32, #tpu.memory_space<hbm>> -> memref<128x32xf32, #tpu.memory_space<hbm>>
    %dma_wait3A_207 = tpu.memref_slice %arg8[%dma_wait3A_200] : memref<8x!tpu.dma_semaphore, #tpu.memory_space<semaphore_mem>> -> memref<1x!tpu.dma_semaphore, #tpu.memory_space<semaphore_mem>>
    %dma_wait3A_208 = tpu.memref_squeeze %dma_wait3A_207 : memref<1x!tpu.dma_semaphore, #tpu.memory_space<semaphore_mem>> -> memref<!tpu.dma_semaphore, #tpu.memory_space<semaphore_mem>>
    %dma_wait3A_209 = arith.constant 0 : i32
    %dma_wait3A_210 = tpu.memref_slice %arg4[%mul3A_198, %dma_wait3A_209] : memref<819200x32xf32, #tpu.memory_space<hbm>> -> memref<128x32xf32, #tpu.memory_space<hbm>>
    %dma_wait3A_211 = arith.constant 0 : i32
    %dma_wait3A_212 = arith.constant 0 : i32
    %dma_wait3A_213 = tpu.memref_slice %arg6[%dma_wait3A_199, %dma_wait3A_211, %dma_wait3A_212] : memref<8x128x32xf32, #tpu.memory_space<vmem>> -> memref<1x128x32xf32, #tpu.memory_space<vmem>>
    %dma_wait3A_214 = tpu.memref_squeeze %dma_wait3A_213 : memref<1x128x32xf32, #tpu.memory_space<vmem>> -> memref<128x32xf32, #tpu.memory_space<vmem>>
    tpu.wait_dma2 semaphore(%dma_wait3A_208 : memref<!tpu.dma_semaphore, #tpu.memory_space<semaphore_mem>>) src(%dma_wait3A_214 : memref<128x32xf32, #tpu.memory_space<vmem>>) dst(%dma_wait3A_210 : memref<128x32xf32, #tpu.memory_space<hbm>>)
    %mul3A_215 = arith.constant 128 : i32
    %mul3A_216 = arith.muli %mul3A_2, %mul3A_215 : i32
    %dma_wait3A_217 = arith.constant 5 : i32
    %dma_wait3A_218 = arith.constant 5 : i32
    %dma_wait3A_219 = arith.constant 0 : i32
    %dma_wait3A_220 = arith.constant 0 : i32
    %dma_wait3A_221 = tpu.memref_slice %arg6[%dma_wait3A_217, %dma_wait3A_219, %dma_wait3A_220] : memref<8x128x32xf32, #tpu.memory_space<vmem>> -> memref<1x128x32xf32, #tpu.memory_space<vmem>>
    %dma_wait3A_222 = tpu.memref_squeeze %dma_wait3A_221 : memref<1x128x32xf32, #tpu.memory_space<vmem>> -> memref<128x32xf32, #tpu.memory_space<vmem>>
    %dma_wait3A_223 = arith.constant 0 : i32
    %dma_wait3A_224 = tpu.memref_slice %arg4[%mul3A_216, %dma_wait3A_223] : memref<819200x32xf32, #tpu.memory_space<hbm>> -> memref<128x32xf32, #tpu.memory_space<hbm>>
    %dma_wait3A_225 = tpu.memref_slice %arg8[%dma_wait3A_218] : memref<8x!tpu.dma_semaphore, #tpu.memory_space<semaphore_mem>> -> memref<1x!tpu.dma_semaphore, #tpu.memory_space<semaphore_mem>>
    %dma_wait3A_226 = tpu.memref_squeeze %dma_wait3A_225 : memref<1x!tpu.dma_semaphore, #tpu.memory_space<semaphore_mem>> -> memref<!tpu.dma_semaphore, #tpu.memory_space<semaphore_mem>>
    %dma_wait3A_227 = arith.constant 0 : i32
    %dma_wait3A_228 = tpu.memref_slice %arg4[%mul3A_216, %dma_wait3A_227] : memref<819200x32xf32, #tpu.memory_space<hbm>> -> memref<128x32xf32, #tpu.memory_space<hbm>>
    %dma_wait3A_229 = arith.constant 0 : i32
    %dma_wait3A_230 = arith.constant 0 : i32
    %dma_wait3A_231 = tpu.memref_slice %arg6[%dma_wait3A_217, %dma_wait3A_229, %dma_wait3A_230] : memref<8x128x32xf32, #tpu.memory_space<vmem>> -> memref<1x128x32xf32, #tpu.memory_space<vmem>>
    %dma_wait3A_232 = tpu.memref_squeeze %dma_wait3A_231 : memref<1x128x32xf32, #tpu.memory_space<vmem>> -> memref<128x32xf32, #tpu.memory_space<vmem>>
    tpu.wait_dma2 semaphore(%dma_wait3A_226 : memref<!tpu.dma_semaphore, #tpu.memory_space<semaphore_mem>>) src(%dma_wait3A_232 : memref<128x32xf32, #tpu.memory_space<vmem>>) dst(%dma_wait3A_228 : memref<128x32xf32, #tpu.memory_space<hbm>>)
    %mul3A_233 = arith.constant 128 : i32
    %mul3A_234 = arith.muli %mul3A_2, %mul3A_233 : i32
    %dma_wait3A_235 = arith.constant 6 : i32
    %dma_wait3A_236 = arith.constant 6 : i32
    %dma_wait3A_237 = arith.constant 0 : i32
    %dma_wait3A_238 = arith.constant 0 : i32
    %dma_wait3A_239 = tpu.memref_slice %arg6[%dma_wait3A_235, %dma_wait3A_237, %dma_wait3A_238] : memref<8x128x32xf32, #tpu.memory_space<vmem>> -> memref<1x128x32xf32, #tpu.memory_space<vmem>>
    %dma_wait3A_240 = tpu.memref_squeeze %dma_wait3A_239 : memref<1x128x32xf32, #tpu.memory_space<vmem>> -> memref<128x32xf32, #tpu.memory_space<vmem>>
    %dma_wait3A_241 = arith.constant 0 : i32
    %dma_wait3A_242 = tpu.memref_slice %arg4[%mul3A_234, %dma_wait3A_241] : memref<819200x32xf32, #tpu.memory_space<hbm>> -> memref<128x32xf32, #tpu.memory_space<hbm>>
    %dma_wait3A_243 = tpu.memref_slice %arg8[%dma_wait3A_236] : memref<8x!tpu.dma_semaphore, #tpu.memory_space<semaphore_mem>> -> memref<1x!tpu.dma_semaphore, #tpu.memory_space<semaphore_mem>>
    %dma_wait3A_244 = tpu.memref_squeeze %dma_wait3A_243 : memref<1x!tpu.dma_semaphore, #tpu.memory_space<semaphore_mem>> -> memref<!tpu.dma_semaphore, #tpu.memory_space<semaphore_mem>>
    %dma_wait3A_245 = arith.constant 0 : i32
    %dma_wait3A_246 = tpu.memref_slice %arg4[%mul3A_234, %dma_wait3A_245] : memref<819200x32xf32, #tpu.memory_space<hbm>> -> memref<128x32xf32, #tpu.memory_space<hbm>>
    %dma_wait3A_247 = arith.constant 0 : i32
    %dma_wait3A_248 = arith.constant 0 : i32
    %dma_wait3A_249 = tpu.memref_slice %arg6[%dma_wait3A_235, %dma_wait3A_247, %dma_wait3A_248] : memref<8x128x32xf32, #tpu.memory_space<vmem>> -> memref<1x128x32xf32, #tpu.memory_space<vmem>>
    %dma_wait3A_250 = tpu.memref_squeeze %dma_wait3A_249 : memref<1x128x32xf32, #tpu.memory_space<vmem>> -> memref<128x32xf32, #tpu.memory_space<vmem>>
    tpu.wait_dma2 semaphore(%dma_wait3A_244 : memref<!tpu.dma_semaphore, #tpu.memory_space<semaphore_mem>>) src(%dma_wait3A_250 : memref<128x32xf32, #tpu.memory_space<vmem>>) dst(%dma_wait3A_246 : memref<128x32xf32, #tpu.memory_space<hbm>>)
    %mul3A_251 = arith.constant 128 : i32
    %mul3A_252 = arith.muli %mul3A_2, %mul3A_251 : i32
    %dma_wait3A_253 = arith.constant 7 : i32
    %dma_wait3A_254 = arith.constant 7 : i32
    %dma_wait3A_255 = arith.constant 0 : i32
    %dma_wait3A_256 = arith.constant 0 : i32
    %dma_wait3A_257 = tpu.memref_slice %arg6[%dma_wait3A_253, %dma_wait3A_255, %dma_wait3A_256] : memref<8x128x32xf32, #tpu.memory_space<vmem>> -> memref<1x128x32xf32, #tpu.memory_space<vmem>>
    %dma_wait3A_258 = tpu.memref_squeeze %dma_wait3A_257 : memref<1x128x32xf32, #tpu.memory_space<vmem>> -> memref<128x32xf32, #tpu.memory_space<vmem>>
    %dma_wait3A_259 = arith.constant 0 : i32
    %dma_wait3A_260 = tpu.memref_slice %arg4[%mul3A_252, %dma_wait3A_259] : memref<819200x32xf32, #tpu.memory_space<hbm>> -> memref<128x32xf32, #tpu.memory_space<hbm>>
    %dma_wait3A_261 = tpu.memref_slice %arg8[%dma_wait3A_254] : memref<8x!tpu.dma_semaphore, #tpu.memory_space<semaphore_mem>> -> memref<1x!tpu.dma_semaphore, #tpu.memory_space<semaphore_mem>>
    %dma_wait3A_262 = tpu.memref_squeeze %dma_wait3A_261 : memref<1x!tpu.dma_semaphore, #tpu.memory_space<semaphore_mem>> -> memref<!tpu.dma_semaphore, #tpu.memory_space<semaphore_mem>>
    %dma_wait3A_263 = arith.constant 0 : i32
    %dma_wait3A_264 = tpu.memref_slice %arg4[%mul3A_252, %dma_wait3A_263] : memref<819200x32xf32, #tpu.memory_space<hbm>> -> memref<128x32xf32, #tpu.memory_space<hbm>>
    %dma_wait3A_265 = arith.constant 0 : i32
    %dma_wait3A_266 = arith.constant 0 : i32
    %dma_wait3A_267 = tpu.memref_slice %arg6[%dma_wait3A_253, %dma_wait3A_265, %dma_wait3A_266] : memref<8x128x32xf32, #tpu.memory_space<vmem>> -> memref<1x128x32xf32, #tpu.memory_space<vmem>>
    %dma_wait3A_268 = tpu.memref_squeeze %dma_wait3A_267 : memref<1x128x32xf32, #tpu.memory_space<vmem>> -> memref<128x32xf32, #tpu.memory_space<vmem>>
    tpu.wait_dma2 semaphore(%dma_wait3A_262 : memref<!tpu.dma_semaphore, #tpu.memory_space<semaphore_mem>>) src(%dma_wait3A_268 : memref<128x32xf32, #tpu.memory_space<vmem>>) dst(%dma_wait3A_264 : memref<128x32xf32, #tpu.memory_space<hbm>>)
    return
  }
}

</mosaic_0001>

<sc_bundles>
// kernel: kernel.3.cloned.1.call-start
scs
__scs_entry_jumppad:
0x0: {  	(pc) =	sbr.rel $0x88, $3  }
0x1: {  	(tag) =	ssettag $0x0;
	lr =	simm.s32 $0x1  }
0x2: {  	[smem:$0x3F9F] =	sst lr;
	_ =	strace $0xD0000000  }
0x3: {  	_ = 	snop  }
0x4: {  	_ = 	snop  }
0x5: {  	_ = 	snop  }
0x6: {  	_ = 	snop  }
0x7: {  	_ = 	snop  }
__scs_overlays_trampoline_lowered:
0x8: {  	[smem:$0x3FAE] =	sst s0  }
0x9: {  	[smem:$0x3FAF] =	sst s1  }
0xa: {  	[smem:$0x3FB0] =	sst s2  }
0xb: {  	[smem:$0x3FB1] =	sst s3  }
0xc: {  	[smem:$0x3FB2] =	sst s4  }
0xd: {  	[smem:$0x3FB3] =	sst s5  }
0xe: {  	[smem:$0x3FB4] =	sst s6  }
0xf: {  	[smem:$0x3FB5] =	sst s7  }
0x10: {  	[smem:$0x3FB6] =	sst s8  }
0x11: {  	[smem:$0x3FB7] =	sst s9;
	s0 =	simm.s32 @!p0 $0x0  }
0x12: {  	s1 =	sld [smem:$0x3F9D];
	s0 =	simm.s32 @p0 $0x1  }
0x13: {  	[smem:$0x3FB8] =	sst s0;
	s0 =	simm.s32 @!p1 $0x0  }
0x14: {  	s2 =	sld [smem:$0x3F9C];
	s0 =	simm.s32 @p1 $0x1  }
0x15: {  	[smem:$0x3FB9] =	sst s0;
	s0 =	simm.s32 @!p2 $0x0  }
0x16: {  	s3 =	sld [smem:$0x3FDB];
	s0 =	simm.s32 @p2 $0x1  }
0x17: {  	s4 =	simm.s32 $0x1BF5;
	[smem:$0x3FBB] =	sst s0  }
0x18: {  	s0 =	sld [smem:$0x3F9E];
	_ =	swait.ge [sflag:s4], $0x0  }
0x19: {  	s7 =	sld [smem:$0x3F9F]  }
0x1a: {  	s8 =	sadd.s32 $0xFFFFE003, lr  }
0x1b: {  	s9 =	sadd.s32 $0xFFFFFEF7, lr;
	s5 =	simm.s32 $0xFFFFFFFF;
	p2 =	slt.u32 s8, $0xFFFFF086  }
0x1c: {  	p1 =	slt.u32 s9, $0xF7A;
	s5 =	simm.s32 @!p2 $0x0  }
0x1d: {  	s5 =	simm.s32 @p1 $0x1;
	p0 =	seq.s32 s7, s2  }
0x1e: {  	s7 =	smul.u32 @!p0 $0xF7A, s2;
	p2 =	seq.s32 @!p0 s5, $0x0  }
0x1f: {  	s9 =	smul.u32 $0xF7A, s1;
	s8 =	simm.s32 @!p0 $0x1BF5;
	p2 =	por !p2, p0  }
0x20: {  	[sflag:s8] =	ssyncset.s32 @!p0 $0xFFFFF086;
	s6 =	sadd.s32 @!p0 s3, s7;
	s7 =	simm.s32 @!p0 $0x108  }
0x21: {  	s3 =	sadd.s32 s3, s9;
	s6 =	sadd.s32 @!p0 $0x88, s6;
	s7 =	simm.s32 @p2 $0x1082  }
0x22: {  	[simem:s7], [sflag:s8] =	dma.local @!p0 [hbm:s6], $0xF7A  }
0x23: {  	s9 =	sor.u32 $0xD0000000, s2;
	s6 =	simm.s32 $0x108;
	_ =	swait.ge @!p0 [sflag:s8], $0x0  }
0x24: {  	s3 =	sadd.s32 $0x88, s3;
	s6 =	simm.s32 @!p1 $0x1082;
	[sflag:s4] =	ssyncset.s32 $0xFFFFF086  }
0x25: {  	[simem:s6], [sflag:s4] =	dma.local [hbm:s3], $0xF7A  }
0x26: {  	[smem:$0x3F9F] =	sst s1;
	(tag) =	ssettag s2;
	_ =	strace s9  }
0x27: {  	s1 =	sld [smem:$0x3FAF]  }
0x28: {  	s2 =	sld [smem:$0x3FB0]  }
0x29: {  	s4 =	sld [smem:$0x3FB2]  }
0x2a: {  	p0 =	seq.s32 s5, $0x0;
	s5 =	sld [smem:$0x3FB3]  }
0x2b: {  	s6 =	sld [smem:$0x3FB4]  }
0x2c: {  	s7 =	sld [smem:$0x3FB5]  }
0x2d: {  	s3 =	simm.s32 $0x108;
	s8 =	sld [smem:$0x3FB6]  }
0x2e: {  	s3 =	simm.s32 @!p0 $0x1082;
	s9 =	sld [smem:$0x3FB7]  }
0x2f: {  	lr =	sadd.s32 s0, s3;
	s0 =	sld [smem:$0x3FAE]  }
0x30: {  	s3 =	sld [smem:$0x3FB1]  }
0x31: {  	[smem:$0x3FBA] =	sst s10  }
0x32: {  	s10 =	sld [smem:$0x3FB8];
	_ =	sdelay $0x3  }
0x33: {  	p0 =	seq.s32 s10, $0x1;
	s10 =	sld [smem:$0x3FBA];
	_ =	sdelay $0x3  }
0x34: {  	[smem:$0x3FBA] =	sst s10  }
0x35: {  	s10 =	sld [smem:$0x3FB9];
	_ =	sdelay $0x3  }
0x36: {  	p1 =	seq.s32 s10, $0x1;
	s10 =	sld [smem:$0x3FBA];
	_ =	sdelay $0x3  }
0x37: {  	[smem:$0x3FBA] =	sst s10  }
0x38: {  	s10 =	sld [smem:$0x3FBB]  }
0x39: {  	_ = 	snop;
	(pc) =	sbr.ind lr, $3  }
0x3a: {  	_ = 	snop  }
0x3b: {  	_ = 	snop  }
0x3c: {  	p2 =	seq.s32 s10, $0x1;
	s10 =	sld [smem:$0x3FBA]  }
0x3d: {  	_ =	shalt  }
0x3e: {  	_ =	shalt  }
0x3f: {  	_ =	shalt  }
0x40: {  	_ =	shalt  }
0x41: {  	_ =	shalt  }
0x42: {  	_ =	shalt  }
0x43: {  	_ =	shalt  }
0x44: {  	_ =	shalt  }
0x45: {  	_ =	shalt  }
0x46: {  	_ =	shalt  }
0x47: {  	_ =	shalt  }
0x48: {  	_ =	shalt  }
0x49: {  	_ =	shalt  }
0x4a: {  	_ =	shalt  }
0x4b: {  	_ =	shalt  }
0x4c: {  	_ =	shalt  }
0x4d: {  	_ =	shalt  }
0x4e: {  	_ =	shalt  }
0x4f: {  	_ =	shalt  }
0x50: {  	_ =	shalt  }
0x51: {  	_ =	shalt  }
0x52: {  	_ =	shalt  }
0x53: {  	_ =	shalt  }
0x54: {  	_ =	shalt  }
0x55: {  	_ =	shalt  }
0x56: {  	_ =	shalt  }
0x57: {  	_ =	shalt  }
0x58: {  	_ =	shalt  }
0x59: {  	_ =	shalt  }
0x5a: {  	_ =	shalt  }
0x5b: {  	_ =	shalt  }
0x5c: {  	_ =	shalt  }
0x5d: {  	_ =	shalt  }
0x5e: {  	_ =	shalt  }
0x5f: {  	_ =	shalt  }
0x60: {  	_ =	shalt  }
0x61: {  	_ =	shalt  }
0x62: {  	_ =	shalt  }
0x63: {  	_ =	shalt  }
0x64: {  	_ =	shalt  }
0x65: {  	_ =	shalt  }
0x66: {  	_ =	shalt  }
0x67: {  	_ =	shalt  }
0x68: {  	_ =	shalt  }
0x69: {  	_ =	shalt  }
0x6a: {  	_ =	shalt  }
0x6b: {  	_ =	shalt  }
0x6c: {  	_ =	shalt  }
0x6d: {  	_ =	shalt  }
0x6e: {  	_ =	shalt  }
0x6f: {  	_ =	shalt  }
0x70: {  	_ =	shalt  }
0x71: {  	_ =	shalt  }
0x72: {  	_ =	shalt  }
0x73: {  	_ =	shalt  }
0x74: {  	_ =	shalt  }
0x75: {  	_ =	shalt  }
0x76: {  	_ =	shalt  }
0x77: {  	_ =	shalt  }
0x78: {  	_ =	shalt  }
0x79: {  	_ =	shalt  }
0x7a: {  	_ =	shalt  }
0x7b: {  	_ =	shalt  }
0x7c: {  	_ =	shalt  }
0x7d: {  	_ =	shalt  }
0x7e: {  	_ =	shalt  }
0x7f: {  	_ =	shalt  }
0x80: {  	_ =	shalt  }
0x81: {  	_ =	shalt  }
0x82: {  	_ =	shalt  }
0x83: {  	_ =	shalt  }
0x84: {  	_ =	shalt  }
0x85: {  	_ =	shalt  }
0x86: {  	_ =	shalt  }
0x87: {  	_ =	shalt  }
.Lfunc_end0:
.L_simem_size_0:
called_computation.1_lowered:
.L_overlay_start_0:
0x88: {  	s2 =	sld [smem:$0x3FD9]  }
0x89: {  	s3 =	sld [smem:$0x3FFE];
	_ =	sdelay $0x1  }
0x8a: {  	s1 =	srdreg.scid  }
0x8b: {  	s0 =	sand.u32 $0x1, s1  }
0x8c: {  	s17 =	sshll.u32 s0, $0xA;
	s2 =	sadd.s32 s3, s2  }
0x8d: {  	s2 =	sadd.s32 s2, s17  }
0x8e: {  	[smem:$0x3FC6] =	sst s2  }
0x8f: {  	_ = 	snop  }
0x90: {  	s2 =	sld [smem:$0x3FD0];
	(tm) =	ssettm $0x1  }
0x91: {  	s18 =	sld [smem:$0x3FFB];
	_ =	sdelay $0x3  }
0x92: {  	_ =	strace s18  }
0x93: {  	s3 =	sld [smem:$0x3FFC];
	_ =	sdelay $0x3  }
0x94: {  	_ =	strace s3  }
0x95: {  	s3 =	sld [smem:$0x3FFD];
	_ =	sdelay $0x3  }
0x96: {  	_ =	strace s3  }
0x97: {  	_ =	strace $0x8FFFFFFF  }
0x98: {  	s19 =	sld [smem:$0x3FDB];
	_ =	sdelay $0x1  }
0x99: {  	s4 =	simm.s32 $_scs_section_size  }
0x9a: {  	s5 =	simm.s32 $_size__tile_overlayer_lowered;
	s6 =	simm.s32 $_tile_overlayer_lowered  }
0x9b: {  	s22 =	simm.s32 $0x1BFF;
	s21 =	sshll.u32 s6, $0x1;
	s3 =	sadd.s32 s4, s19  }
0x9c: {  	s7 =	simm.s32 $0x0;
	s20 =	sshll.u32 s5, $0x1;
	s5 =	sadd.s32 s21, s3  }
0x9d: {  	[timem:s7], [sflag:s22] =	dma.local [hbm:s5], s20  }
0x9e: {  	_ =	swait.ge [sflag:s22], s20  }
0x9f: {  	s4 =	ssub.s32 $0x0, s20;
	[sflag:s22] =	ssyncset.done $0x0  }
0xa0: {  	[sflag:s22] =	ssyncadd.s32 s4;
	_ =	sdelay $0x1  }
0xa1: {  	s23 =	simm.s32 $0x1B8B  }
0xa2: {  	_ =	swait.ge [sflag:s23], $0x1  }
0xa3: {  	[sflag:s23] =	ssyncset.done $0x0  }
0xa4: {  	s25 =	simm.s32 $0x1B8E;
	s24 =	sld [smem:$0x3FFE];
	[sflag:s23] =	ssyncadd.s32 $0xFFFFFFFF  }
0xa5: {  	s26 =	simm.s32 $execute0_lowered;
	[smem:$0x3FD2] =	sst s25  }
0xa6: {  	s5 =	sshll.u32 s26, $0x1;
	_ =	strace $0x80000046;
	[dreg:$0x1] =	wrdreg $0xFFFFFFFF  }
0xa7: {  	s28 =	simm.s32 $_size_execute0_lowered;
	s3 =	sadd.s32 s3, s5;
	[dreg:$0x0] =	wrdreg $0x0  }
0xa8: {  	s5 =	sshll.u32 s28, $0x1;
	[dreg:$0x2] =	wrdreg s3  }
0xa9: {  	[dreg:$0x3] =	wrdreg s5  }
0xaa: {  	[dreg:$0x4] =	wrdreg $0xC0  }
0xab: {  	_ =	task [dreg:s7], $0x5FFFF  }
0xac: {  	[dreg:$0x1] =	wrdreg $0xFFFFFFFF  }
0xad: {  	[dreg:$0x0] =	wrdreg $0x60  }
0xae: {  	[dreg:$0x2] =	wrdreg s24  }
0xaf: {  	[dreg:$0x3] =	wrdreg s2  }
0xb0: {  	[dreg:$0x4] =	wrdreg $0x9  }
0xb1: {  	_ =	task.clear_ibuf [dreg:s7], $0x5FFFF;
	_ =	strace $0x90000046  }
0xb2: {  	s29 =	simm.s32 $0x9;
	_ =	strace $0x80000048  }
0xb3: {  	_ =	swait.ge [sflag:s29], $0x1  }
0xb4: {  	[sflag:s29] =	ssyncadd.s32 $0xFFFFFFFF  }
0xb5: {  	_ =	strace $0x90000048  }
0xb6: {  	_ =	sfence  }
0xb7: {  	s30 =	sld [smem:$0x0];
	_ =	sdelay $0x2  }
0xb8: {  	s31 =	sshll.u32 s1, $0xD;
	s1 =	sshrl.u32 s1, $0x2  }
0xb9: {  	s3 =	sand.u32 $0x4000, s31;
	s1 =	sadd.s32 s1, s30  }
0xba: {  	s0 =	sor.u32 s3, s0;
	s1 =	sshll.u32 s1, $0x11  }
0xbb: {  	s0 =	sor.u32 s1, s0  }
0xbc: {  	s0 =	sadd.s32 $0x8F2B, s0  }
0xbd: {  	[sflag:s0] =	ssyncadd.remote.s32 $0x1  }
0xbe: {  	_ =	sfence.sel $0xFFFF  }
0xbf: {  	[dreg:$0x0] =	wrdreg $0xFFFFFFFF;
	(pc) =	sbr.abs _section_cstart, $3  }
0xc0: {  	[dreg:$0x1] =	wrdreg $0xFFFFFFFF  }
0xc1: {  	_ =	task.clear_ibuf [dreg:s7], $0x2FFFF;
	_ =	strace $0x9FFFFFFF  }
0xc2: {  	(tm) =	ssettm $0x7FFFFFFF  }
0xc3: {  	_ =	shalt  }
tec
execute0_lowered:
.L_overlay_start_1:
0x0: {  	(tag) =	ssettag $0x1  }
0x1: {  	s0 =	srdreg.scid  }
0x2: {  	s9 =	stileid.u32;
	s4 =	rddreg [dreg:$0x0]  }
0x3: {  	s6 =	rddreg [dreg:$0x1];
	s2 =	simm.s32 $0x0;
	s12 =	simm.s32 $0x80  }
0x4: {  	s13 =	simm.s32 $0x6400;
	s14 =	simm.s32 $0x7400;
	s16 =	simm.s32 $0x8400  }
0x5: {  	s18 =	simm.s32 $0x9400;
	s20 =	simm.s32 $0xA400;
	s22 =	simm.s32 $0xB400  }
0x6: {  	s28 =	simm.s32 $0x1;
	s29 =	simm.s32 $0x2;
	s30 =	simm.s32 $0x3  }
0x7: {  	s31 =	simm.s32 $0x4;
	s15 =	simm.s32 $0x7;
	s17 =	simm.s32 $0x8  }
0x8: {  	s19 =	simm.s32 $0x10;
	s21 =	simm.s32 $0x0;
	s5 =	smul.u32 $0x190, s9  }
0x9: {  	s0 =	sand.u32 $0x1, s0;
	s1 =	sshll.u32 s9, $0x1;
	s24 =	smul.u32 $0x32000, s9  }
0xa: {  	[smem:$0x7FF] =	sst s2;
	s3 =	sadd.s32 $0xF42E00, s4;
	s7 =	smul.u32 $0xC8, s0  }
0xb: {  	s1 =	sor.u32 s0, s1;
	s8 =	ssub.s32 $0x2, s0;
	s0 =	smul.u32 $0x19000, s0  }
0xc: {  	_ =	strace $0x80000047;
	s1 =	smul.u32 $0xC80, s1;
	s23 =	sshrl.u32 s8, $0x1  }
0xd: {  	s26 =	sadd.s32 s24, s6;
	s24 =	simm.s32 $0xC400;
	s5 =	sadd.s32 s7, s5  }
0xe: {  	s10 =	sadd.s32 s0, s26;
	s26 =	simm.s32 $0xD400;
	s1 =	sadd.s32 s1, s4  }
0xf: {  	s4 =	ssub.s32 s8, s23;
	s5 =	sshll.u32 s5, $0x9;
	s1 =	sadd.s32 $0xA00, s1  }
0x10: {  	s5 =	sadd.s32 s5, s6;
	s25 =	smax.u32 s4, $0x1;
	[dreg:$0x3] =	wrdreg s1  }
0x11: {  	s0 =	simm.s32 $0x6;
	[dreg:$0x4] =	wrdreg s25;
	s7 =	sadd.s32 $0xC00, s5  }
0x12: {  	s8 =	sadd.s32 $0x800, s5;
	s9 =	sadd.s32 $0x400, s5;
	s1 =	simm.s32 $0x5  }
.LBB2_1:
0x13: {  	s4 =	rddreg [dreg:$0x3];
	s11 =	simm.s32 $0x11  }
0x14: {  	[tilespmem:s2], [sflag:$0x11] =	stream.linear.gather [hbm4b:s4+s2], $0x6400, $0x38;
	[tilespmem:$0xE400] =	vst v63  }
0x15: {  	_ =	swait.ge [sflag:s11], $0x6400  }
0x16: {  	[sflag:s11] =	ssyncset.done $0x0  }
0x17: {  	[sflag:s11] =	ssyncadd.s32 $0xFFFF9C00  }
0x18: {  	[tilespmem:s13], [sflag:$0x1] =	stream.indirect.gather [hbm4b:s3+s12], $0x20, s2, s12, $0xb8;
	[tilespmem:$0xE400] =	vst v63  }
0x19: {  	_ = 	snop  }
0x1a: {  	[tilespmem:s14], [sflag:$0x2] =	stream.indirect.gather [hbm4b:s3+s12], $0x20, s12, s12, $0xb8;
	[tilespmem:$0xE400] =	vst v63  }
0x1b: {  	s23 =	simm.s32 $0x100  }
0x1c: {  	[tilespmem:s16], [sflag:$0x3] =	stream.indirect.gather [hbm4b:s3+s12], $0x20, s23, s12, $0xb8;
	[tilespmem:$0xE400] =	vst v63  }
0x1d: {  	s25 =	simm.s32 $0x180  }
0x1e: {  	[tilespmem:s18], [sflag:$0x4] =	stream.indirect.gather [hbm4b:s3+s12], $0x20, s25, s12, $0xb8;
	[tilespmem:$0xE400] =	vst v63  }
0x1f: {  	s6 =	simm.s32 $0x200  }
0x20: {  	[tilespmem:s20], [sflag:$0x5] =	stream.indirect.gather [hbm4b:s3+s12], $0x20, s6, s12, $0xb8;
	[tilespmem:$0xE400] =	vst v63  }
0x21: {  	s11 =	simm.s32 $0x280  }
0x22: {  	[tilespmem:s22], [sflag:$0x6] =	stream.indirect.gather [hbm4b:s3+s12], $0x20, s11, s12, $0xb8;
	[tilespmem:$0xE400] =	vst v63  }
0x23: {  	s23 =	simm.s32 $0x300  }
0x24: {  	[tilespmem:s24], [sflag:$0x7] =	stream.indirect.gather [hbm4b:s3+s12], $0x20, s23, s12, $0xb8;
	[tilespmem:$0xE400] =	vst v63  }
0x25: {  	s25 =	simm.s32 $0x380;
	s23 =	simm.s32 $0x0  }
0x26: {  	[tilespmem:s26], [sflag:$0x8] =	stream.indirect.gather [hbm4b:s3+s12], $0x20, s25, s12, $0xb8;
	[tilespmem:$0xE400] =	vst v63  }
.LBB2_2:
0x27: {  	_ =	swait.ge [sflag:s28], $0x1000  }
0x28: {  	[sflag:s28] =	ssyncset.done $0x0  }
0x29: {  	s25 =	sadd.s32 s23, s10;
	[sflag:s28] =	ssyncadd.s32 $0xFFFFF000  }
0x2a: {  	[hbm4b:s25+s2] =	stream.linear.scatter [tilespmem:s13], [sflag:$0x9], $0x1000, $0x38;
	[tilespmem:$0xE400] =	vst v63  }
0x2b: {  	_ =	swait.ge [sflag:s29], $0x1000  }
0x2c: {  	s25 =	sadd.s32 s23, s5;
	[sflag:s29] =	ssyncset.done $0x0  }
0x2d: {  	s4 =	sadd.s32 $0x200, s25;
	[sflag:s29] =	ssyncadd.s32 $0xFFFFF000  }
0x2e: {  	[hbm4b:s4+s2] =	stream.linear.scatter [tilespmem:s14], [sflag:$0xA], $0x1000, $0x38;
	[tilespmem:$0xE400] =	vst v63  }
0x2f: {  	_ =	swait.ge [sflag:s30], $0x1000  }
0x30: {  	[sflag:s30] =	ssyncset.done $0x0  }
0x31: {  	s11 =	sadd.s32 s23, s9;
	[sflag:s30] =	ssyncadd.s32 $0xFFFFF000  }
0x32: {  	[hbm4b:s11+s2] =	stream.linear.scatter [tilespmem:s16], [sflag:$0xB], $0x1000, $0x38;
	[tilespmem:$0xE400] =	vst v63  }
0x33: {  	_ =	swait.ge [sflag:s31], $0x1000  }
0x34: {  	[sflag:s31] =	ssyncset.done $0x0  }
0x35: {  	s6 =	sadd.s32 $0x600, s25;
	[sflag:s31] =	ssyncadd.s32 $0xFFFFF000  }
0x36: {  	[hbm4b:s6+s2] =	stream.linear.scatter [tilespmem:s18], [sflag:$0xC], $0x1000, $0x38;
	[tilespmem:$0xE400] =	vst v63  }
0x37: {  	_ =	swait.ge [sflag:s1], $0x1000  }
0x38: {  	[sflag:s1] =	ssyncset.done $0x0  }
0x39: {  	s11 =	sadd.s32 s23, s8;
	[sflag:s1] =	ssyncadd.s32 $0xFFFFF000  }
0x3a: {  	[hbm4b:s11+s2] =	stream.linear.scatter [tilespmem:s20], [sflag:$0xD], $0x1000, $0x38;
	[tilespmem:$0xE400] =	vst v63  }
0x3b: {  	_ =	swait.ge [sflag:s0], $0x1000  }
0x3c: {  	[sflag:s0] =	ssyncset.done $0x0  }
0x3d: {  	s6 =	sadd.s32 $0xA00, s25;
	[sflag:s0] =	ssyncadd.s32 $0xFFFFF000  }
0x3e: {  	[hbm4b:s6+s2] =	stream.linear.scatter [tilespmem:s22], [sflag:$0xE], $0x1000, $0x38;
	[tilespmem:$0xE400] =	vst v63  }
0x3f: {  	_ =	swait.ge [sflag:s15], $0x1000  }
0x40: {  	[sflag:s15] =	ssyncset.done $0x0  }
0x41: {  	s11 =	sadd.s32 s23, s7;
	[sflag:s15] =	ssyncadd.s32 $0xFFFFF000  }
0x42: {  	[hbm4b:s11+s2] =	stream.linear.scatter [tilespmem:s24], [sflag:$0xF], $0x1000, $0x38;
	[tilespmem:$0xE400] =	vst v63  }
0x43: {  	_ =	swait.ge [sflag:s17], $0x1000  }
0x44: {  	p0 =	seq.s32 s23, $0x18000;
	[sflag:s17] =	ssyncset.done $0x0  }
0x45: {  	s4 =	simm.s32 @!p0 $0x9;
	s25 =	sadd.s32 $0xE00, s25;
	[sflag:s17] =	ssyncadd.s32 $0xFFFFF000  }
0x46: {  	[hbm4b:s25+s2] =	stream.linear.scatter [tilespmem:s26], [sflag:$0x10], $0x1000, $0x38;
	[tilespmem:$0xE400] =	vst v63  }
0x47: {  	_ =	swait.ge @!p0 [sflag:s4], $0x1000  }
0x48: {  	[sflag:s4] =	ssyncset.done @!p0 $0x0  }
0x49: {  	[sflag:s4] =	ssyncadd.s32 @!p0 $0xFFFFF000;
	s4 =	sshra.s32 @!p0 s23, $0x2  }
0x4a: {  	s6 =	simm.s32 @!p0 $0x80;
	s11 =	simm.s32 @!p0 $0x6400;
	s25 =	sadd.s32 @!p0 $0x400, s4  }
0x4b: {  	[tilespmem:s11], [sflag:$0x1] =	stream.indirect.gather @!p0 [hbm4b:s3+s6], $0x20, s25, s6, $0xb8;
	[tilespmem:$0xE400] =	vst v63  }
0x4c: {  	s11 =	simm.s32 @!p0 $0xA  }
0x4d: {  	_ =	swait.ge @!p0 [sflag:s11], $0x1000  }
0x4e: {  	[sflag:s11] =	ssyncset.done @!p0 $0x0  }
0x4f: {  	s25 =	simm.s32 @!p0 $0x7400;
	[sflag:s11] =	ssyncadd.s32 @!p0 $0xFFFFF000;
	s11 =	sadd.s32 @!p0 $0x480, s4  }
0x50: {  	[tilespmem:s25], [sflag:$0x2] =	stream.indirect.gather @!p0 [hbm4b:s3+s6], $0x20, s11, s6, $0xb8;
	[tilespmem:$0xE400] =	vst v63  }
0x51: {  	s11 =	simm.s32 @!p0 $0xB  }
0x52: {  	_ =	swait.ge @!p0 [sflag:s11], $0x1000  }
0x53: {  	[sflag:s11] =	ssyncset.done @!p0 $0x0  }
0x54: {  	s25 =	simm.s32 @!p0 $0x8400;
	[sflag:s11] =	ssyncadd.s32 @!p0 $0xFFFFF000;
	s11 =	sadd.s32 @!p0 $0x500, s4  }
0x55: {  	[tilespmem:s25], [sflag:$0x3] =	stream.indirect.gather @!p0 [hbm4b:s3+s6], $0x20, s11, s6, $0xb8;
	[tilespmem:$0xE400] =	vst v63  }
0x56: {  	s11 =	simm.s32 @!p0 $0xC  }
0x57: {  	_ =	swait.ge @!p0 [sflag:s11], $0x1000  }
0x58: {  	[sflag:s11] =	ssyncset.done @!p0 $0x0  }
0x59: {  	s25 =	simm.s32 @!p0 $0x9400;
	[sflag:s11] =	ssyncadd.s32 @!p0 $0xFFFFF000;
	s11 =	sadd.s32 @!p0 $0x580, s4  }
0x5a: {  	[tilespmem:s25], [sflag:$0x4] =	stream.indirect.gather @!p0 [hbm4b:s3+s6], $0x20, s11, s6, $0xb8;
	[tilespmem:$0xE400] =	vst v63  }
0x5b: {  	s11 =	simm.s32 @!p0 $0xD  }
0x5c: {  	_ =	swait.ge @!p0 [sflag:s11], $0x1000  }
0x5d: {  	[sflag:s11] =	ssyncset.done @!p0 $0x0  }
0x5e: {  	s25 =	simm.s32 @!p0 $0xA400;
	[sflag:s11] =	ssyncadd.s32 @!p0 $0xFFFFF000;
	s11 =	sadd.s32 @!p0 $0x600, s4  }
0x5f: {  	[tilespmem:s25], [sflag:$0x5] =	stream.indirect.gather @!p0 [hbm4b:s3+s6], $0x20, s11, s6, $0xb8;
	[tilespmem:$0xE400] =	vst v63  }
0x60: {  	s11 =	simm.s32 @!p0 $0xE  }
0x61: {  	_ =	swait.ge @!p0 [sflag:s11], $0x1000  }
0x62: {  	[sflag:s11] =	ssyncset.done @!p0 $0x0  }
0x63: {  	s25 =	simm.s32 @!p0 $0xB400;
	[sflag:s11] =	ssyncadd.s32 @!p0 $0xFFFFF000;
	s11 =	sadd.s32 @!p0 $0x680, s4  }
0x64: {  	[tilespmem:s25], [sflag:$0x6] =	stream.indirect.gather @!p0 [hbm4b:s3+s6], $0x20, s11, s6, $0xb8;
	[tilespmem:$0xE400] =	vst v63  }
0x65: {  	s11 =	simm.s32 @!p0 $0xF  }
0x66: {  	_ =	swait.ge @!p0 [sflag:s11], $0x1000  }
0x67: {  	[sflag:s11] =	ssyncset.done @!p0 $0x0  }
0x68: {  	s25 =	simm.s32 @!p0 $0xC400;
	[sflag:s11] =	ssyncadd.s32 @!p0 $0xFFFFF000;
	s11 =	sadd.s32 @!p0 $0x700, s4  }
0x69: {  	[tilespmem:s25], [sflag:$0x7] =	stream.indirect.gather @!p0 [hbm4b:s3+s6], $0x20, s11, s6, $0xb8;
	[tilespmem:$0xE400] =	vst v63  }
0x6a: {  	s11 =	simm.s32 @!p0 $0x10  }
0x6b: {  	s23 =	sadd.s32 @!p0 $0x1000, s23;
	_ =	swait.ge @!p0 [sflag:s11], $0x1000  }
0x6c: {  	p1 =	sne.s32 @!p0 s23, $0x19000;
	[sflag:s11] =	ssyncset.done @!p0 $0x0  }
0x6d: {  	s4 =	sadd.s32 @!p0 $0x780, s4;
	[sflag:s11] =	ssyncadd.s32 @!p0 $0xFFFFF000;
	s11 =	simm.s32 @!p0 $0xD400  }
0x6e: {  	[tilespmem:s11], [sflag:$0x8] =	stream.indirect.gather @!p0 [hbm4b:s3+s6], $0x20, s4, s6, $0xb8;
	[tilespmem:$0xE400] =	vst v63  }
0x6f: {  	p0 =	por p0, !p1  }
.Ltmp0:
0x70: {  	_ = 	snop;
	(pc) =	sbr.rel @!p0 .LBB2_2-.Ltmp0, $1  }
0x71: {  	_ =	sdelay $0x3  }
0x72: {  	s4 =	simm.s32 $0x9  }
0x73: {  	_ =	swait.ge [sflag:s4], $0x1000  }
0x74: {  	[sflag:s4] =	ssyncset.done $0x0  }
0x75: {  	s11 =	simm.s32 $0xA;
	[sflag:s4] =	ssyncadd.s32 $0xFFFFF000  }
0x76: {  	_ =	swait.ge [sflag:s11], $0x1000  }
0x77: {  	[sflag:s11] =	ssyncset.done $0x0  }
0x78: {  	s23 =	simm.s32 $0xB;
	[sflag:s11] =	ssyncadd.s32 $0xFFFFF000  }
0x79: {  	_ =	swait.ge [sflag:s23], $0x1000  }
0x7a: {  	[sflag:s23] =	ssyncset.done $0x0  }
0x7b: {  	s25 =	simm.s32 $0xC;
	[sflag:s23] =	ssyncadd.s32 $0xFFFFF000  }
0x7c: {  	_ =	swait.ge [sflag:s25], $0x1000  }
0x7d: {  	[sflag:s25] =	ssyncset.done $0x0  }
0x7e: {  	s6 =	simm.s32 $0xD;
	[sflag:s25] =	ssyncadd.s32 $0xFFFFF000  }
0x7f: {  	_ =	swait.ge [sflag:s6], $0x1000  }
0x80: {  	[sflag:s6] =	ssyncset.done $0x0  }
0x81: {  	s11 =	simm.s32 $0xE;
	[sflag:s6] =	ssyncadd.s32 $0xFFFFF000  }
0x82: {  	_ =	swait.ge [sflag:s11], $0x1000  }
0x83: {  	[sflag:s11] =	ssyncset.done $0x0  }
0x84: {  	s23 =	simm.s32 $0xF;
	[sflag:s11] =	ssyncadd.s32 $0xFFFFF000  }
0x85: {  	_ =	swait.ge [sflag:s23], $0x1000  }
0x86: {  	[sflag:s23] =	ssyncset.done $0x0  }
0x87: {  	[sflag:s23] =	ssyncadd.s32 $0xFFFFF000  }
0x88: {  	_ =	swait.ge [sflag:s19], $0x1000  }
0x89: {  	s21 =	sadd.s32 $0x1, s21;
	s25 =	rddreg [dreg:$0x4]  }
0x8a: {  	p0 =	sne.s32 s21, s25  }
.Ltmp1:
0x8b: {  	_ = 	snop;
	(pc) =	sbr.rel @p0 .LBB2_1-.Ltmp1, $3  }
0x8c: {  	_ =	sdelay $0x1  }
0x8d: {  	[sflag:s19] =	ssyncset.done $0x0  }
0x8e: {  	[sflag:s19] =	ssyncadd.s32 $0xFFFFF000  }
0x8f: {  	_ =	sfence.sel $0x180000  }
0x90: {  	[bflag:$0x0] =	sbarrier.arrive $0xFFFF  }
0x91: {  	_ =	strace $0x90000047  }
0x92: {  	s0 =	stileid.u32;
	[bflag:$0x2] =	sbarrier.arrive $0xFFFF  }
0x93: {  	p0 =	sne.s32 s0, $0x0;
	s0 =	rddreg [dreg:$0x2]  }
0x94: {  	s0 =	sadd.s32 @!p0 $0x100000, s0  }
0x95: {  	[sflag:s0] =	ssyncadd.tile.s32 @!p0 $0x1;
	_ =	shalt  }
.Lfunc_end2:
_tile_overlayer_lowered:
.L_overlay_start_2:
0x96: {  	(tag) =	ssettag $0x2  }
0x97: {  	s0 =	rddreg [dreg:$0x0];
	s2 =	stileid.u32  }
0x98: {  	s1 =	rddreg [dreg:$0x1];
	p0 =	sne.s32 s2, $0x0  }
0x99: {  	s3 =	rddreg [dreg:$0x2];
	[bflag:$0x3] =	sbarrier.arrive $0xFFFF;
	s2 =	simm.s32 @!p0 $0x1C11  }
0x9a: {  	[timem:s3], [sflag:s2] =	dma.local @!p0 [hbm:s0], s1  }
0x9b: {  	s0 =	simm.s32 @!p0 $0x11  }
0x9c: {  	_ =	swait.ge @!p0 [sflag:s0], s1  }
0x9d: {  	s1 =	ssub.s32 @!p0 $0x0, s1;
	[sflag:s0] =	ssyncset.done @!p0 $0x0  }
0x9e: {  	[sflag:s0] =	ssyncadd.s32 @!p0 s1  }
0x9f: {  	[bflag:$0x3] =	sbarrier.arrive $0xFFFF  }
0xa0: {  	_ =	shalt  }

// kernel: sparse-core-data-format-call.cloned.1.call-start
scs
called_computation_lowered:
.L_overlay_start_0:
0x0: {  	s2 =	sld [smem:$0x3FD9]  }
0x1: {  	s3 =	sld [smem:$0x3FFE];
	_ =	sdelay $0x1  }
0x2: {  	s1 =	srdreg.scid  }
0x3: {  	s0 =	sand.u32 $0x1, s1  }
0x4: {  	s18 =	sshll.u32 s0, $0xA;
	s2 =	sadd.s32 s3, s2  }
0x5: {  	s2 =	sadd.s32 s2, s18  }
0x6: {  	[smem:$0x3FC6] =	sst s2  }
0x7: {  	_ = 	snop  }
0x8: {  	s2 =	sld [smem:$0x3FD0];
	(tm) =	ssettm $0x1  }
0x9: {  	s19 =	sld [smem:$0x3FFB];
	_ =	sdelay $0x3  }
0xa: {  	_ =	strace s19  }
0xb: {  	s3 =	sld [smem:$0x3FFC];
	_ =	sdelay $0x3  }
0xc: {  	_ =	strace s3  }
0xd: {  	s3 =	sld [smem:$0x3FFD];
	_ =	sdelay $0x3  }
0xe: {  	_ =	strace s3  }
0xf: {  	_ =	strace $0x8FFFFFFF  }
0x10: {  	s20 =	sld [smem:$0x3FDB];
	_ =	sdelay $0x1  }
0x11: {  	s4 =	simm.s32 $_scs_section_size  }
0x12: {  	s5 =	simm.s32 $_size__tile_overlayer_lowered;
	s6 =	simm.s32 $_tile_overlayer_lowered  }
0x13: {  	s23 =	simm.s32 $0x1BFF;
	s22 =	sshll.u32 s6, $0x1;
	s3 =	sadd.s32 s4, s20  }
0x14: {  	s7 =	simm.s32 $0x0;
	s21 =	sshll.u32 s5, $0x1;
	s5 =	sadd.s32 s22, s3  }
0x15: {  	[timem:s7], [sflag:s23] =	dma.local [hbm:s5], s21  }
0x16: {  	_ =	swait.ge [sflag:s23], s21  }
0x17: {  	s4 =	ssub.s32 $0x0, s21;
	[sflag:s23] =	ssyncset.done $0x0  }
0x18: {  	[sflag:s23] =	ssyncadd.s32 s4;
	_ =	sdelay $0x1  }
0x19: {  	s24 =	simm.s32 $0x1B8B  }
0x1a: {  	_ =	swait.ge [sflag:s24], $0x1  }
0x1b: {  	[sflag:s24] =	ssyncset.done $0x0  }
0x1c: {  	s26 =	simm.s32 $0x1B8E;
	s25 =	sld [smem:$0x3FFE];
	[sflag:s24] =	ssyncadd.s32 $0xFFFFFFFF  }
0x1d: {  	s27 =	simm.s32 $execute0_lowered;
	[smem:$0x3FD2] =	sst s26  }
0x1e: {  	s5 =	sshll.u32 s27, $0x1;
	_ =	strace $0x80000049;
	[dreg:$0x1] =	wrdreg $0xFFFFFFFF  }
0x1f: {  	s28 =	simm.s32 $_size_execute0_lowered;
	s3 =	sadd.s32 s3, s5;
	[dreg:$0x0] =	wrdreg $0x0  }
0x20: {  	s5 =	sshll.u32 s28, $0x1;
	[dreg:$0x2] =	wrdreg s3  }
0x21: {  	[dreg:$0x3] =	wrdreg s5  }
0x22: {  	[dreg:$0x4] =	wrdreg $0xC0  }
0x23: {  	_ =	task [dreg:s7], $0x5FFFF  }
0x24: {  	[dreg:$0x1] =	wrdreg $0xFFFFFFFF  }
0x25: {  	[dreg:$0x0] =	wrdreg $0x60  }
0x26: {  	[dreg:$0x2] =	wrdreg s25  }
0x27: {  	[dreg:$0x3] =	wrdreg s2  }
0x28: {  	[dreg:$0x4] =	wrdreg $0x9  }
0x29: {  	_ =	task.clear_ibuf [dreg:s7], $0x5FFFF;
	_ =	strace $0x90000049  }
0x2a: {  	s29 =	simm.s32 $0x9;
	_ =	strace $0x8000004B  }
0x2b: {  	_ =	swait.ge [sflag:s29], $0x1  }
0x2c: {  	[sflag:s29] =	ssyncadd.s32 $0xFFFFFFFF  }
0x2d: {  	_ =	strace $0x9000004B  }
0x2e: {  	_ =	sfence  }
0x2f: {  	s30 =	sld [smem:$0x0];
	_ =	sdelay $0x2  }
0x30: {  	s31 =	sshll.u32 s1, $0xD;
	s1 =	sshrl.u32 s1, $0x2  }
0x31: {  	s3 =	sand.u32 $0x4000, s31;
	s1 =	sadd.s32 s1, s30  }
0x32: {  	s0 =	sor.u32 s3, s0;
	s1 =	sshll.u32 s1, $0x11  }
0x33: {  	s0 =	sor.u32 s1, s0  }
0x34: {  	s0 =	sadd.s32 $0x8F2B, s0  }
0x35: {  	[sflag:s0] =	ssyncadd.remote.s32 $0x1  }
0x36: {  	_ =	sfence.sel $0xFFFF  }
0x37: {  	[dreg:$0x0] =	wrdreg $0xFFFFFFFF;
	(pc) =	sbr.abs _section_cstart, $3  }
0x38: {  	[dreg:$0x1] =	wrdreg $0xFFFFFFFF  }
0x39: {  	_ =	task.clear_ibuf [dreg:s7], $0x2FFFF;
	_ =	strace $0x9FFFFFFF  }
0x3a: {  	(tm) =	ssettm $0x7FFFFFFF  }
0x3b: {  	_ =	shalt  }
tec
execute0_lowered:
.L_overlay_start_1:
0x0: {  	(tag) =	ssettag $0x1  }
0x1: {  	s0 =	srdreg.scid  }
0x2: {  	s1 =	sshll.u32 s0, $0x4  }
0x3: {  	s0 =	stileid.u32;
	s1 =	sand.u32 $0x10, s1  }
0x4: {  	s1 =	sor.u32 s0, s1  }
0x5: {  	s6 =	rddreg [dreg:$0x0];
	s4 =	simm.s32 $0x1;
	s2 =	sshll.u32 s1, $0x7  }
0x6: {  	s7 =	simm.s32 $0x2;
	s12 =	simm.s32 $0x0;
	s1 =	ssub.s32 $0x1000, s2  }
0x7: {  	s8 =	simm.s32 $0x8000;
	s13 =	simm.s32 $0x0;
	s3 =	sand.u32 $0xF80, s1  }
0x8: {  	s9 =	simm.s32 $0x0;
	s5 =	sshrl.u32 s1, $0xC;
	p0 =	sne.s32 s3, $0x0  }
.Ltmp0:
0x9: {  	s1 =	rddreg [dreg:$0x2];
	s4 =	simm.s32 @!p0 $0x0;
	(pc) =	sbr.rel .LBB1_1-.Ltmp0, $4  }
0xa: {  	s11 =	simm.s32 $0x0;
	s3 =	rddreg [dreg:$0x1];
	s5 =	sadd.s32 s4, s5  }
0xb: {  	_ =	strace $0x8000004A;
	s4 =	simm.s32 $0x1;
	s5 =	smul.u32 $0xC8, s5  }
0xc: {  	s6 =	sadd.s32 $0xA00, s6;
	s10 =	smov.u32 s2;
	[sflag:s4] =	ssyncpa.u1 $0x0  }
0xd: {  	p0 =	por $0x0, $0x0;
	[sflag:s7] =	ssyncpa.u1 $0x0;
	s7 =	sor.u32 $0x1, s5  }
.LBB1_4:
0xe: {  	s16 =	sshll.u32 s13, $0x3;
	s17 =	sand.u32 $0x78, s13  }
0xf: {  	s30 =	sand.u32 $0x3E00, s13;
	s12 =	sshll.u32 s12, $0xE;
	s16 =	sand.u32 $0xC00, s16  }
0x10: {  	s31 =	sand.u32 $0x7, s13;
	s16 =	sor.u32 s17, s16;
	s17 =	sadd.s32 s3, s30  }
0x11: {  	s13 =	sshll.u32 s31, $0x12;
	s16 =	sshrl.u32 s16, $0x3;
	s12 =	sadd.s32 s12, s17  }
0x12: {  	[tilespmem:s15+$0x0 ss:$0x81] =	vst.msk $0xffff, v0;
	s13 =	sor.u32 $0x400, s13;
	s12 =	sadd.s32 s16, s12  }
0x13: {  	[hbm4b:s12+s13] =	stream.strided.scatter [tilespmem:s14], [sflag:$0x2], $0x1000, s8, s13, $0x20;
	[tilespmem:$0x4040] =	vst v63  }
.LBB1_5:
0x14: {  	s14 =	sadd.s32 $0x1, s9  }
0x15: {  	s12 =	sadd.s32 $0x1000, s10;
	s16 =	smov.u32 s10;
	p2 =	sgt.s32 s14, $0xC7  }
0x16: {  	s16 =	smov.u32 @p2 s12  }
0x17: {  	s14 =	simm.s32 @p2 $0x0;
	p2 =	sgt.s32 s16, $0xFFF  }
0x18: {  	s16 =	smov.u32 @p2 s2;
	p2 =	sne.s32 s11, s7  }
.Ltmp1:
0x19: {  	p1 =	slt.u32 s11, $0x2;
	(pc) =	sbr.rel @!p2 .LBB1_6-.Ltmp1, $4  }
0x1a: {  	s15 =	simm.s32 @!p1 $0x2  }
0x1b: {  	s13 =	smov.u32 s10;
	p0 =	por !p0, !p0;
	_ =	swait.ge @!p1 [sflag:s15], $0x1000  }
0x1c: {  	s12 =	smov.u32 s9;
	[sflag:s15] =	ssyncset.done @!p1 $0x0;
	s9 =	smov.u32 s14  }
0x1d: {  	s11 =	sadd.s32 $0x1, s11;
	[sflag:s15] =	ssyncadd.s32 @!p1 $0xFFFFF000;
	s10 =	smov.u32 s16  }
.LBB1_1:
0x1e: {  	p1 =	sge.u32 s11, s5  }
0x1f: {  	s14 =	sand.u32 @!p1 $0x1FFFFFF, s9  }
0x20: {  	s15 =	smulhi.u32 @!p1 $0x147AE15, s14;
	_ =	sdelay $0x1  }
0x21: {  	s15 =	smul.u32 @!p1 $0xC8, s15  }
0x22: {  	s16 =	sxor.u32 @!p1 $0xFFFFFFFF, s11;
	s17 =	smul.u32 @!p1 $0xC80, s10  }
0x23: {  	s31 =	sadd.s32 $0xFFFFFFFF, s11;
	s16 =	sshll.u32 @!p1 s16, $0xC;
	s14 =	ssub.s32 @!p1 s14, s15  }
0x24: {  	s15 =	sand.u32 @!p1 $0x1000, s16;
	s16 =	sadd.s32 @!p1 s6, s17;
	s14 =	sshll.u32 @!p1 s14, $0x4  }
0x25: {  	s17 =	simm.s32 @!p1 $0x6400;
	s14 =	sadd.s32 @!p1 s14, s16;
	s16 =	simm.s32 @!p1 $0x20  }
0x26: {  	[tilespmem:s15], [sflag:$0x1] =	stream.strided.gather @!p1 [hbm4b:s14+s16], $0x1000, s17, s16, $0x38;
	[tilespmem:$0x4040] =	vst v63  }
0x27: {  	p1 =	sge.u32 s31, s5  }
.Ltmp2:
0x28: {  	_ = 	snop;
	(pc) =	sbr.rel @p1 .LBB1_5-.Ltmp2, $1  }
0x29: {  	_ =	sdelay $0x3  }
0x2a: {  	s14 =	simm.s32 $0x1  }
0x2b: {  	_ =	swait.ge [sflag:s4], $0x1000;
	s14 =	simm.s32 @!p0 $0x0  }
0x2c: {  	[sflag:s4] =	ssyncset.done $0x0;
	s15 =	sshll.u32 s14, $0xC  }
0x2d: {  	[sflag:s4] =	ssyncadd.s32 $0xFFFFF000;
	s18 =	sor.u32 $0x10, s15  }
0x2e: {  	s14 =	smul.u32 $0x4080, s14;
	v1 =	vld [tilespmem:s18+$0x0]  }
0x2f: {  	s30 =	sand.u32 $0x1, s11;
	v0 =	vld [tilespmem:s18+$0xFFFFFFF0]  }
0x30: {  	s15 =	smul.u32 $0x4080, s30;
	s14 =	sshrl.u32 s14, $0x2  }
0x31: {  	s16 =	sor.u32 $0x2000, s14  }
0x32: {  	s31 =	sshrl.u32 s15, $0x2;
	s15 =	sadd.s32 $0x0, s16  }
0x33: {  	s17 =	simm.s32 $0x4;
	s18 =	sadd.s32 $0x20, s18;
	s14 =	sor.u32 $0x2000, s31;
	[tilespmem:s15+$0x810 ss:$0x81] =	vst.msk $0xffff, v1  }
.LBB1_3:
0x34: {  	v1 =	vld [tilespmem:s18+$0x0];
	p1 =	sne.s32 s17, $0x1FC;
	[tilespmem:s15+$0x0 ss:$0x81] =	vst.msk $0xffff, v0;
	s15 =	smov.u32 s17;
	s17 =	sadd.s32 $0x4, s17  }
.Ltmp3:
0x35: {  	v0 =	vld [tilespmem:s18+$0xFFFFFFF0];
	(pc) =	sbr.rel @p1 .LBB1_3-.Ltmp3, $4  }
0x36: {  	_ = 	snop  }
0x37: {  	s15 =	sshra.s32 s15, $0x2  }
0x38: {  	s15 =	sadd.s32 s15, s16  }
0x39: {  	s18 =	sadd.s32 $0x20, s18;
	[tilespmem:s15+$0x810 ss:$0x81] =	vst.msk $0xffff, v1  }
.Ltmp4:
0x3a: {  	_ = 	snop;
	(pc) =	sbr.rel .LBB1_4-.Ltmp4, $1  }
0x3b: {  	_ =	sdelay $0x3  }
.LBB1_6:
0x3c: {  	_ =	sfence.sel $0x180000  }
0x3d: {  	s2 =	simm.s32 $0x1;
	[bflag:$0x0] =	sbarrier.arrive $0xFFFF  }
0x3e: {  	s31 =	simm.s32 $0x2;
	[sflag:s2] =	ssyncpa.u1 $0x1  }
0x3f: {  	[sflag:s31] =	ssyncpa.u1 $0x1  }
0x40: {  	p0 =	sne.s32 s0, $0x0;
	_ =	strace $0x9000004A  }
0x41: {  	s0 =	sadd.s32 @!p0 $0x100000, s1;
	[bflag:$0x2] =	sbarrier.arrive $0xFFFF  }
0x42: {  	[sflag:s0] =	ssyncadd.tile.s32 @!p0 $0x1;
	_ =	shalt  }
.Lfunc_end1:
_tile_overlayer_lowered:
.L_overlay_start_2:
0x43: {  	(tag) =	ssettag $0x2  }
0x44: {  	s0 =	rddreg [dreg:$0x0];
	s2 =	stileid.u32  }
0x45: {  	s1 =	rddreg [dreg:$0x1];
	p0 =	sne.s32 s2, $0x0  }
0x46: {  	s3 =	rddreg [dreg:$0x2];
	[bflag:$0x3] =	sbarrier.arrive $0xFFFF;
	s2 =	simm.s32 @!p0 $0x1C01  }
0x47: {  	[timem:s3], [sflag:s2] =	dma.local @!p0 [hbm:s0], s1  }
0x48: {  	s0 =	simm.s32 @!p0 $0x1  }
0x49: {  	_ =	swait.ge @!p0 [sflag:s0], s1  }
0x4a: {  	s1 =	ssub.s32 @!p0 $0x0, s1;
	[sflag:s0] =	ssyncset.done @!p0 $0x0  }
0x4b: {  	[sflag:s0] =	ssyncadd.s32 @!p0 s1  }
0x4c: {  	[bflag:$0x3] =	sbarrier.arrive $0xFFFF  }
0x4d: {  	_ =	shalt  }

</sc_bundles>
